<compile_context>
chip_gen: v7x
topology: tpu7x:2x2x1
jax: 0.10.2.dev20260603
libtpu: 0.0.44.dev20260713+nightly
codegen_flags: <defaults>
</compile_context>

<pallas_src>
import jax
import jax.numpy as jnp
from jax import lax
from jax.experimental import pallas as pl
from jax.experimental.pallas import tpu as pltpu
from jax.experimental.pallas import tpu_sc as plsc

_info = plsc.get_sparse_core_info()
_NC, _NS = _info.num_cores, _info.num_subcores
_NW = _NC * _NS

_NBUF = 4
_CHUNK = 800

_mesh = plsc.VectorSubcoreMesh(core_axis_name="c", subcore_axis_name="s")


def _gather_body(nchunk):
    c, nb = _CHUNK, _NBUF
    k = nb - 1

    def body(table, idx_hbm, out, *scratch):
        ibufs = scratch[0:nb]
        rbufs = scratch[nb:2 * nb]
        isems = scratch[2 * nb:3 * nb]
        gsems = scratch[3 * nb:4 * nb]
        wsems = scratch[4 * nb:5 * nb]

        wid = lax.axis_index("s") * _NC + lax.axis_index("c")
        wbase = wid * (nchunk * c)

        def off(g):
            return wbase + g * c

        def idx_start(g, j):
            pltpu.async_copy(idx_hbm.at[pl.ds(off(g), c)], ibufs[j], isems[j])

        def idx_wait(j):
            pltpu.make_async_copy(idx_hbm.at[pl.ds(wbase, c)], ibufs[j], isems[j]).wait()

        def gat_start(j):
            pltpu.async_copy(table.at[ibufs[j]], rbufs[j], gsems[j])

        def gat_wait(j):
            pltpu.make_async_copy(table.at[ibufs[j]], rbufs[j], gsems[j]).wait()

        def wb_start(g, j):
            pltpu.async_copy(rbufs[j], out.at[pl.ds(off(g), c)], wsems[j])

        def wb_wait(j):
            pltpu.make_async_copy(rbufs[j], out.at[pl.ds(wbase, c)], wsems[j]).wait()

        def step(g, j, wait_prev, start_g, start_i):
            gat_wait(j)
            wb_start(g, j)
            if wait_prev:
                wb_wait((j - 1) % nb)
            if start_g:
                jj = (j + k) % nb
                idx_wait(jj)
                gat_start(jj)
            if start_i:
                idx_start(g + nb, j)

        for g in range(nb):
            idx_start(g, g)
        for g in range(k):
            idx_wait(g)
            gat_start(g)

        for j in range(nb):
            step(j, j, j >= 1, j + k < nchunk, j + nb < nchunk)

        nblocks = nchunk // nb

        def block(i, carry):
            g0 = i * nb
            for j in range(nb):
                step(g0 + j, j, True, True, True)
            return carry

        lax.fori_loop(1, nblocks - 1, block, 0)

        for j in range(nb):
            g = nchunk - nb + j
            step(g, j, True, g + k < nchunk, g + nb < nchunk)

        wb_wait(nb - 1)

    return body


def _relayout_body(hist, d, batch):
    slab = batch // _NW
    flen = slab * d
    nk = slab // 16

    def body(rows, out, vi0, vi1, vo0, vo1, is0, is1, os0, os1):
        wid = lax.axis_index("s") * _NC + lax.axis_index("c")
        bbase = wid * slab
        iota32 = lax.iota(jnp.int32, 16) * d

        vis, vos = (vi0, vi1), (vo0, vo1)
        isems, osems = (is0, is1), (os0, os1)

        def in_start(h, p):
            pltpu.async_copy(
                rows.at[pl.ds((h * batch + bbase) * d, flen)], vis[p], isems[p])

        def in_wait(p):
            pltpu.make_async_copy(
                rows.at[pl.ds(0, flen)], vis[p], isems[p]).wait()

        def out_start(h, p):
            pltpu.async_copy(
                vos[p], out.at[pl.ds(h, 1), :, pl.ds(bbase, slab)], osems[p])

        def out_wait(p):
            pltpu.make_async_copy(
                vos[p], out.at[pl.ds(0, 1), :, pl.ds(bbase, slab)], osems[p]).wait()

        def transpose(p):
            vin, vout = vis[p], vos[p]
            zero16 = lax.iota(jnp.int32, 16) * 0
            dlo = lax.iota(jnp.int32, 16)
            dhi = dlo + 16

            @plsc.parallel_loop(0, slab, unroll=4)
            def cbody(col):
                cvec = zero16 + col
                vlo = vin[pl.ds(col * d, 16)]
                vhi = vin[pl.ds(col * d + 16, 16)]
                plsc.store_scatter(vout, [zero16, dlo, cvec], vlo)
                plsc.store_scatter(vout, [zero16, dhi, cvec], vhi)

        def step(h, p, start_next_in, wait_out_prev):
            in_wait(p)
            if start_next_in:
                in_start(h + 1, 1 - p)
            if wait_out_prev:
                out_wait(p)
            transpose(p)
            out_start(h, p)

        in_start(0, 0)
        step(0, 0, True, False)
        step(1, 1, True, False)

        def pair(i, carry):
            step(2 * i, 0, True, True)
            step(2 * i + 1, 1, True, True)
            return carry

        lax.fori_loop(1, hist // 2 - 1, pair, 0)

        step(hist - 2, 0, True, True)
        step(hist - 1, 1, False, True)

        out_wait(0)
        out_wait(1)

    return body


def kernel(token_ids, embedding_table):
    batch, hist = token_ids.shape
    n_emb, d = embedding_table.shape
    b = batch * hist
    assert b % (_NW * _CHUNK) == 0
    nchunk = b // (_NW * _CHUNK)
    assert nchunk % _NBUF == 0 and nchunk // _NBUF >= 3
    slab = batch // _NW
    assert slab % 16 == 0 and hist % 2 == 0 and hist >= 6

    ids_flat = jnp.transpose(token_ids).reshape(b).astype(jnp.int32)

    rows = pl.kernel(
        _gather_body(nchunk),
        out_type=jax.ShapeDtypeStruct((b, d), jnp.float32),
        mesh=_mesh,
        compiler_params=pltpu.CompilerParams(use_tc_tiling_on_sc=False),
        scratch_types=(
            [pltpu.VMEM((_CHUNK,), jnp.int32) for _ in range(_NBUF)]
            + [pltpu.VMEM((_CHUNK, d), jnp.float32) for _ in range(_NBUF)]
            + [pltpu.SemaphoreType.DMA for _ in range(3 * _NBUF)]
        ),
    )(embedding_table, ids_flat)
    rows_flat = rows.reshape(b * d)

    o2 = pl.kernel(
        _relayout_body(hist, d, batch),
        out_type=jax.ShapeDtypeStruct((hist, d, batch), jnp.float32),
        mesh=_mesh,
        compiler_params=pltpu.CompilerParams(
            use_tc_tiling_on_sc=True, needs_layout_passes=False),
        scratch_types=[
            pltpu.VMEM((slab * d,), jnp.float32),
            pltpu.VMEM((slab * d,), jnp.float32),
            pltpu.VMEM((1, d, slab), jnp.float32),
            pltpu.VMEM((1, d, slab), jnp.float32),
            pltpu.SemaphoreType.DMA,
            pltpu.SemaphoreType.DMA,
            pltpu.SemaphoreType.DMA,
            pltpu.SemaphoreType.DMA,
        ],
    )(rows_flat)
    return jnp.transpose(o2, (2, 0, 1))

# --- scband reference (transcript-rebuilt; emitter-appended) ---
"""Pipeline reference for scband-embedding-87393994539170 (READ-ONLY COPY).

The authoritative reference and input builder live on the scoring server;
editing this copy changes nothing except your own understanding.
"""

import jax, jax.numpy as jnp
import numpy as np

NUM_EMBEDDINGS = 1000000
EMBED_DIM = 32
BATCH = 16384
HIST = 200

def setup_inputs(seed: int = 0) -> dict:
    key = jax.random.key(seed)
    k_idx, k_tab = jax.random.split(key)
    token_ids = jax.random.randint(k_idx, (BATCH, HIST), 0, NUM_EMBEDDINGS, dtype=jnp.int64 if jax.config.jax_enable_x64 else jnp.int32)
    # trunc_normal_ default: mean=0, std=1, truncated to [-2, 2]
    embedding_table = jax.random.truncated_normal(k_tab, -2.0, 2.0, (NUM_EMBEDDINGS, EMBED_DIM), dtype=jnp.float32)
    return {"token_ids": token_ids, "embedding_table": embedding_table}

def reference(token_ids, embedding_table):
    # Faithful translation of: self.embedding_table[token_ids]
    return jnp.take(embedding_table, token_ids, axis=0)

if __name__ == "__main__":
    import jax
    _d = setup_inputs()
    print(jax.jit(kernel)(*tuple(_d.values())))

</pallas_src>

<mosaic_0001>
#map = affine_map<(d0, d1) -> (0, 0)>
#map1 = affine_map<(d0, d1) -> (0)>
module attributes {stable_mosaic.version = 14 : i64} {
  func.func @body(%arg0: i32, %arg1: i32, %arg2: memref<1000000x32xf32, #tpu.memory_space<hbm>>, %arg3: memref<3276800xi32, #tpu.memory_space<hbm>>, %arg4: memref<3276800x32xf32, #tpu.memory_space<hbm>>, %arg5: memref<800xi32, #tpu.memory_space<vmem>>, %arg6: memref<800xi32, #tpu.memory_space<vmem>>, %arg7: memref<800xi32, #tpu.memory_space<vmem>>, %arg8: memref<800xi32, #tpu.memory_space<vmem>>, %arg9: memref<800x32xf32, #tpu.memory_space<vmem>>, %arg10: memref<800x32xf32, #tpu.memory_space<vmem>>, %arg11: memref<800x32xf32, #tpu.memory_space<vmem>>, %arg12: memref<800x32xf32, #tpu.memory_space<vmem>>, %arg13: memref<!tpu.dma_semaphore, #tpu.memory_space<semaphore_mem>>, %arg14: memref<!tpu.dma_semaphore, #tpu.memory_space<semaphore_mem>>, %arg15: memref<!tpu.dma_semaphore, #tpu.memory_space<semaphore_mem>>, %arg16: memref<!tpu.dma_semaphore, #tpu.memory_space<semaphore_mem>>, %arg17: memref<!tpu.dma_semaphore, #tpu.memory_space<semaphore_mem>>, %arg18: memref<!tpu.dma_semaphore, #tpu.memory_space<semaphore_mem>>, %arg19: memref<!tpu.dma_semaphore, #tpu.memory_space<semaphore_mem>>, %arg20: memref<!tpu.dma_semaphore, #tpu.memory_space<semaphore_mem>>, %arg21: memref<!tpu.dma_semaphore, #tpu.memory_space<semaphore_mem>>, %arg22: memref<!tpu.dma_semaphore, #tpu.memory_space<semaphore_mem>>, %arg23: memref<!tpu.dma_semaphore, #tpu.memory_space<semaphore_mem>>, %arg24: memref<!tpu.dma_semaphore, #tpu.memory_space<semaphore_mem>>) attributes {dimension_semantics = [#tpu.dimension_semantics<core_parallel>, #tpu.dimension_semantics<subcore_parallel>], iteration_bounds = array<i64: 2, 16>, scalar_prefetch = 0 : i64, scratch_operands = 20 : i64, tpu.core_type = #tpu.core_type<sc_vector_subcore>, window_params = [{transform_indices = #map}, {transform_indices = #map1}, {transform_indices = #map}]} {
    %mul3A = arith.constant 2 : i32
    %mul3A_0 = arith.muli %arg1, %mul3A : i32
    %add3A = arith.addi %mul3A_0, %arg0 : i32
    %mul3A_1 = arith.constant 102400 : i32
    %mul3A_2 = arith.muli %add3A, %mul3A_1 : i32
    %add3A_3 = arith.constant 0 : i32
    %add3A_4 = arith.addi %mul3A_2, %add3A_3 : i32
    %dma_start3A = tpu.memref_slice %arg3[%add3A_4] : memref<3276800xi32, #tpu.memory_space<hbm>> -> memref<800xi32, #tpu.memory_space<hbm>>
    %dma_start3A_5 = tpu.memref_slice %arg3[%add3A_4] : memref<3276800xi32, #tpu.memory_space<hbm>> -> memref<800xi32, #tpu.memory_space<hbm>>
    tpu.enqueue_dma source(%dma_start3A_5 : memref<800xi32, #tpu.memory_space<hbm>>) target(%arg5 : memref<800xi32, #tpu.memory_space<vmem>>) target_semaphore(%arg13 : memref<!tpu.dma_semaphore, #tpu.memory_space<semaphore_mem>>)
    %add3A_6 = arith.constant 800 : i32
    %add3A_7 = arith.addi %mul3A_2, %add3A_6 : i32
    %dma_start3A_8 = tpu.memref_slice %arg3[%add3A_7] : memref<3276800xi32, #tpu.memory_space<hbm>> -> memref<800xi32, #tpu.memory_space<hbm>>
    %dma_start3A_9 = tpu.memref_slice %arg3[%add3A_7] : memref<3276800xi32, #tpu.memory_space<hbm>> -> memref<800xi32, #tpu.memory_space<hbm>>
    tpu.enqueue_dma source(%dma_start3A_9 : memref<800xi32, #tpu.memory_space<hbm>>) target(%arg6 : memref<800xi32, #tpu.memory_space<vmem>>) target_semaphore(%arg14 : memref<!tpu.dma_semaphore, #tpu.memory_space<semaphore_mem>>)
    %add3A_10 = arith.constant 1600 : i32
    %add3A_11 = arith.addi %mul3A_2, %add3A_10 : i32
    %dma_start3A_12 = tpu.memref_slice %arg3[%add3A_11] : memref<3276800xi32, #tpu.memory_space<hbm>> -> memref<800xi32, #tpu.memory_space<hbm>>
    %dma_start3A_13 = tpu.memref_slice %arg3[%add3A_11] : memref<3276800xi32, #tpu.memory_space<hbm>> -> memref<800xi32, #tpu.memory_space<hbm>>
    tpu.enqueue_dma source(%dma_start3A_13 : memref<800xi32, #tpu.memory_space<hbm>>) target(%arg7 : memref<800xi32, #tpu.memory_space<vmem>>) target_semaphore(%arg15 : memref<!tpu.dma_semaphore, #tpu.memory_space<semaphore_mem>>)
    %add3A_14 = arith.constant 2400 : i32
    %add3A_15 = arith.addi %mul3A_2, %add3A_14 : i32
    %dma_start3A_16 = tpu.memref_slice %arg3[%add3A_15] : memref<3276800xi32, #tpu.memory_space<hbm>> -> memref<800xi32, #tpu.memory_space<hbm>>
    %dma_start3A_17 = tpu.memref_slice %arg3[%add3A_15] : memref<3276800xi32, #tpu.memory_space<hbm>> -> memref<800xi32, #tpu.memory_space<hbm>>
    tpu.enqueue_dma source(%dma_start3A_17 : memref<800xi32, #tpu.memory_space<hbm>>) target(%arg8 : memref<800xi32, #tpu.memory_space<vmem>>) target_semaphore(%arg16 : memref<!tpu.dma_semaphore, #tpu.memory_space<semaphore_mem>>)
    %dma_wait3A = tpu.memref_slice %arg3[%mul3A_2] : memref<3276800xi32, #tpu.memory_space<hbm>> -> memref<800xi32, #tpu.memory_space<hbm>>
    %dma_wait3A_18 = tpu.memref_slice %arg3[%mul3A_2] : memref<3276800xi32, #tpu.memory_space<hbm>> -> memref<800xi32, #tpu.memory_space<hbm>>
    tpu.wait_dma2 semaphore(%arg13 : memref<!tpu.dma_semaphore, #tpu.memory_space<semaphore_mem>>) src(%dma_wait3A_18 : memref<800xi32, #tpu.memory_space<hbm>>) dst(%arg5 : memref<800xi32, #tpu.memory_space<vmem>>)
    %dma_start3A_19 = arith.constant 0 : i32
    %dma_start3A_20 = arith.constant 0 : i32
    %dma_start3A_21 = tpu.memref_slice %arg2[%dma_start3A_19, %dma_start3A_20] : memref<1000000x32xf32, #tpu.memory_space<hbm>> -> memref<1000000x32xf32, #tpu.memory_space<hbm>>
    tpu.enqueue_indirect_dma source(%dma_start3A_21 : memref<1000000x32xf32, #tpu.memory_space<hbm>>) target(%arg9 : memref<800x32xf32, #tpu.memory_space<vmem>>) offsets(%arg5 : memref<800xi32, #tpu.memory_space<vmem>>) semaphore(%arg17 : memref<!tpu.dma_semaphore, #tpu.memory_space<semaphore_mem>>)
    %dma_wait3A_22 = tpu.memref_slice %arg3[%mul3A_2] : memref<3276800xi32, #tpu.memory_space<hbm>> -> memref<800xi32, #tpu.memory_space<hbm>>
    %dma_wait3A_23 = tpu.memref_slice %arg3[%mul3A_2] : memref<3276800xi32, #tpu.memory_space<hbm>> -> memref<800xi32, #tpu.memory_space<hbm>>
    tpu.wait_dma2 semaphore(%arg14 : memref<!tpu.dma_semaphore, #tpu.memory_space<semaphore_mem>>) src(%dma_wait3A_23 : memref<800xi32, #tpu.memory_space<hbm>>) dst(%arg6 : memref<800xi32, #tpu.memory_space<vmem>>)
    %dma_start3A_24 = arith.constant 0 : i32
    %dma_start3A_25 = arith.constant 0 : i32
    %dma_start3A_26 = tpu.memref_slice %arg2[%dma_start3A_24, %dma_start3A_25] : memref<1000000x32xf32, #tpu.memory_space<hbm>> -> memref<1000000x32xf32, #tpu.memory_space<hbm>>
    tpu.enqueue_indirect_dma source(%dma_start3A_26 : memref<1000000x32xf32, #tpu.memory_space<hbm>>) target(%arg10 : memref<800x32xf32, #tpu.memory_space<vmem>>) offsets(%arg6 : memref<800xi32, #tpu.memory_space<vmem>>) semaphore(%arg18 : memref<!tpu.dma_semaphore, #tpu.memory_space<semaphore_mem>>)
    %dma_wait3A_27 = tpu.memref_slice %arg3[%mul3A_2] : memref<3276800xi32, #tpu.memory_space<hbm>> -> memref<800xi32, #tpu.memory_space<hbm>>
    %dma_wait3A_28 = tpu.memref_slice %arg3[%mul3A_2] : memref<3276800xi32, #tpu.memory_space<hbm>> -> memref<800xi32, #tpu.memory_space<hbm>>
    tpu.wait_dma2 semaphore(%arg15 : memref<!tpu.dma_semaphore, #tpu.memory_space<semaphore_mem>>) src(%dma_wait3A_28 : memref<800xi32, #tpu.memory_space<hbm>>) dst(%arg7 : memref<800xi32, #tpu.memory_space<vmem>>)
    %dma_start3A_29 = arith.constant 0 : i32
    %dma_start3A_30 = arith.constant 0 : i32
    %dma_start3A_31 = tpu.memref_slice %arg2[%dma_start3A_29, %dma_start3A_30] : memref<1000000x32xf32, #tpu.memory_space<hbm>> -> memref<1000000x32xf32, #tpu.memory_space<hbm>>
    tpu.enqueue_indirect_dma source(%dma_start3A_31 : memref<1000000x32xf32, #tpu.memory_space<hbm>>) target(%arg11 : memref<800x32xf32, #tpu.memory_space<vmem>>) offsets(%arg7 : memref<800xi32, #tpu.memory_space<vmem>>) semaphore(%arg19 : memref<!tpu.dma_semaphore, #tpu.memory_space<semaphore_mem>>)
    %dma_wait3A_32 = arith.constant 0 : i32
    %dma_wait3A_33 = arith.constant 0 : i32
    %dma_wait3A_34 = tpu.memref_slice %arg2[%dma_wait3A_32, %dma_wait3A_33] : memref<1000000x32xf32, #tpu.memory_space<hbm>> -> memref<1000000x32xf32, #tpu.memory_space<hbm>>
    tpu.wait_indirect_dma semaphore(%arg17 : memref<!tpu.dma_semaphore, #tpu.memory_space<semaphore_mem>>) src(%dma_wait3A_34 : memref<1000000x32xf32, #tpu.memory_space<hbm>>) dst(%arg9 : memref<800x32xf32, #tpu.memory_space<vmem>>)
    %add3A_35 = arith.constant 0 : i32
    %add3A_36 = arith.addi %mul3A_2, %add3A_35 : i32
    %dma_start3A_37 = arith.constant 0 : i32
    %dma_start3A_38 = tpu.memref_slice %arg4[%add3A_36, %dma_start3A_37] : memref<3276800x32xf32, #tpu.memory_space<hbm>> -> memref<800x32xf32, #tpu.memory_space<hbm>>
    %dma_start3A_39 = arith.constant 0 : i32
    %dma_start3A_40 = tpu.memref_slice %arg4[%add3A_36, %dma_start3A_39] : memref<3276800x32xf32, #tpu.memory_space<hbm>> -> memref<800x32xf32, #tpu.memory_space<hbm>>
    tpu.enqueue_dma source(%arg9 : memref<800x32xf32, #tpu.memory_space<vmem>>) target(%dma_start3A_40 : memref<800x32xf32, #tpu.memory_space<hbm>>) target_semaphore(%arg21 : memref<!tpu.dma_semaphore, #tpu.memory_space<semaphore_mem>>)
    %dma_wait3A_41 = tpu.memref_slice %arg3[%mul3A_2] : memref<3276800xi32, #tpu.memory_space<hbm>> -> memref<800xi32, #tpu.memory_space<hbm>>
    %dma_wait3A_42 = tpu.memref_slice %arg3[%mul3A_2] : memref<3276800xi32, #tpu.memory_space<hbm>> -> memref<800xi32, #tpu.memory_space<hbm>>
    tpu.wait_dma2 semaphore(%arg16 : memref<!tpu.dma_semaphore, #tpu.memory_space<semaphore_mem>>) src(%dma_wait3A_42 : memref<800xi32, #tpu.memory_space<hbm>>) dst(%arg8 : memref<800xi32, #tpu.memory_space<vmem>>)
    %dma_start3A_43 = arith.constant 0 : i32
    %dma_start3A_44 = arith.constant 0 : i32
    %dma_start3A_45 = tpu.memref_slice %arg2[%dma_start3A_43, %dma_start3A_44] : memref<1000000x32xf32, #tpu.memory_space<hbm>> -> memref<1000000x32xf32, #tpu.memory_space<hbm>>
    tpu.enqueue_indirect_dma source(%dma_start3A_45 : memref<1000000x32xf32, #tpu.memory_space<hbm>>) target(%arg12 : memref<800x32xf32, #tpu.memory_space<vmem>>) offsets(%arg8 : memref<800xi32, #tpu.memory_space<vmem>>) semaphore(%arg20 : memref<!tpu.dma_semaphore, #tpu.memory_space<semaphore_mem>>)
    %add3A_46 = arith.constant 3200 : i32
    %add3A_47 = arith.addi %mul3A_2, %add3A_46 : i32
    %dma_start3A_48 = tpu.memref_slice %arg3[%add3A_47] : memref<3276800xi32, #tpu.memory_space<hbm>> -> memref<800xi32, #tpu.memory_space<hbm>>
    %dma_start3A_49 = tpu.memref_slice %arg3[%add3A_47] : memref<3276800xi32, #tpu.memory_space<hbm>> -> memref<800xi32, #tpu.memory_space<hbm>>
    tpu.enqueue_dma source(%dma_start3A_49 : memref<800xi32, #tpu.memory_space<hbm>>) target(%arg5 : memref<800xi32, #tpu.memory_space<vmem>>) target_semaphore(%arg13 : memref<!tpu.dma_semaphore, #tpu.memory_space<semaphore_mem>>)
    %dma_wait3A_50 = arith.constant 0 : i32
    %dma_wait3A_51 = arith.constant 0 : i32
    %dma_wait3A_52 = tpu.memref_slice %arg2[%dma_wait3A_50, %dma_wait3A_51] : memref<1000000x32xf32, #tpu.memory_space<hbm>> -> memref<1000000x32xf32, #tpu.memory_space<hbm>>
    tpu.wait_indirect_dma semaphore(%arg18 : memref<!tpu.dma_semaphore, #tpu.memory_space<semaphore_mem>>) src(%dma_wait3A_52 : memref<1000000x32xf32, #tpu.memory_space<hbm>>) dst(%arg10 : memref<800x32xf32, #tpu.memory_space<vmem>>)
    %add3A_53 = arith.constant 800 : i32
    %add3A_54 = arith.addi %mul3A_2, %add3A_53 : i32
    %dma_start3A_55 = arith.constant 0 : i32
    %dma_start3A_56 = tpu.memref_slice %arg4[%add3A_54, %dma_start3A_55] : memref<3276800x32xf32, #tpu.memory_space<hbm>> -> memref<800x32xf32, #tpu.memory_space<hbm>>
    %dma_start3A_57 = arith.constant 0 : i32
    %dma_start3A_58 = tpu.memref_slice %arg4[%add3A_54, %dma_start3A_57] : memref<3276800x32xf32, #tpu.memory_space<hbm>> -> memref<800x32xf32, #tpu.memory_space<hbm>>
    tpu.enqueue_dma source(%arg10 : memref<800x32xf32, #tpu.memory_space<vmem>>) target(%dma_start3A_58 : memref<800x32xf32, #tpu.memory_space<hbm>>) target_semaphore(%arg22 : memref<!tpu.dma_semaphore, #tpu.memory_space<semaphore_mem>>)
    %dma_wait3A_59 = arith.constant 0 : i32
    %dma_wait3A_60 = tpu.memref_slice %arg4[%mul3A_2, %dma_wait3A_59] : memref<3276800x32xf32, #tpu.memory_space<hbm>> -> memref<800x32xf32, #tpu.memory_space<hbm>>
    %dma_wait3A_61 = arith.constant 0 : i32
    %dma_wait3A_62 = tpu.memref_slice %arg4[%mul3A_2, %dma_wait3A_61] : memref<3276800x32xf32, #tpu.memory_space<hbm>> -> memref<800x32xf32, #tpu.memory_space<hbm>>
    tpu.wait_dma2 semaphore(%arg21 : memref<!tpu.dma_semaphore, #tpu.memory_space<semaphore_mem>>) src(%arg9 : memref<800x32xf32, #tpu.memory_space<vmem>>) dst(%dma_wait3A_62 : memref<800x32xf32, #tpu.memory_space<hbm>>)
    %dma_wait3A_63 = tpu.memref_slice %arg3[%mul3A_2] : memref<3276800xi32, #tpu.memory_space<hbm>> -> memref<800xi32, #tpu.memory_space<hbm>>
    %dma_wait3A_64 = tpu.memref_slice %arg3[%mul3A_2] : memref<3276800xi32, #tpu.memory_space<hbm>> -> memref<800xi32, #tpu.memory_space<hbm>>
    tpu.wait_dma2 semaphore(%arg13 : memref<!tpu.dma_semaphore, #tpu.memory_space<semaphore_mem>>) src(%dma_wait3A_64 : memref<800xi32, #tpu.memory_space<hbm>>) dst(%arg5 : memref<800xi32, #tpu.memory_space<vmem>>)
    %dma_start3A_65 = arith.constant 0 : i32
    %dma_start3A_66 = arith.constant 0 : i32
    %dma_start3A_67 = tpu.memref_slice %arg2[%dma_start3A_65, %dma_start3A_66] : memref<1000000x32xf32, #tpu.memory_space<hbm>> -> memref<1000000x32xf32, #tpu.memory_space<hbm>>
    tpu.enqueue_indirect_dma source(%dma_start3A_67 : memref<1000000x32xf32, #tpu.memory_space<hbm>>) target(%arg9 : memref<800x32xf32, #tpu.memory_space<vmem>>) offsets(%arg5 : memref<800xi32, #tpu.memory_space<vmem>>) semaphore(%arg17 : memref<!tpu.dma_semaphore, #tpu.memory_space<semaphore_mem>>)
    %add3A_68 = arith.constant 4000 : i32
    %add3A_69 = arith.addi %mul3A_2, %add3A_68 : i32
    %dma_start3A_70 = tpu.memref_slice %arg3[%add3A_69] : memref<3276800xi32, #tpu.memory_space<hbm>> -> memref<800xi32, #tpu.memory_space<hbm>>
    %dma_start3A_71 = tpu.memref_slice %arg3[%add3A_69] : memref<3276800xi32, #tpu.memory_space<hbm>> -> memref<800xi32, #tpu.memory_space<hbm>>
    tpu.enqueue_dma source(%dma_start3A_71 : memref<800xi32, #tpu.memory_space<hbm>>) target(%arg6 : memref<800xi32, #tpu.memory_space<vmem>>) target_semaphore(%arg14 : memref<!tpu.dma_semaphore, #tpu.memory_space<semaphore_mem>>)
    %dma_wait3A_72 = arith.constant 0 : i32
    %dma_wait3A_73 = arith.constant 0 : i32
    %dma_wait3A_74 = tpu.memref_slice %arg2[%dma_wait3A_72, %dma_wait3A_73] : memref<1000000x32xf32, #tpu.memory_space<hbm>> -> memref<1000000x32xf32, #tpu.memory_space<hbm>>
    tpu.wait_indirect_dma semaphore(%arg19 : memref<!tpu.dma_semaphore, #tpu.memory_space<semaphore_mem>>) src(%dma_wait3A_74 : memref<1000000x32xf32, #tpu.memory_space<hbm>>) dst(%arg11 : memref<800x32xf32, #tpu.memory_space<vmem>>)
    %add3A_75 = arith.constant 1600 : i32
    %add3A_76 = arith.addi %mul3A_2, %add3A_75 : i32
    %dma_start3A_77 = arith.constant 0 : i32
    %dma_start3A_78 = tpu.memref_slice %arg4[%add3A_76, %dma_start3A_77] : memref<3276800x32xf32, #tpu.memory_space<hbm>> -> memref<800x32xf32, #tpu.memory_space<hbm>>
    %dma_start3A_79 = arith.constant 0 : i32
    %dma_start3A_80 = tpu.memref_slice %arg4[%add3A_76, %dma_start3A_79] : memref<3276800x32xf32, #tpu.memory_space<hbm>> -> memref<800x32xf32, #tpu.memory_space<hbm>>
    tpu.enqueue_dma source(%arg11 : memref<800x32xf32, #tpu.memory_space<vmem>>) target(%dma_start3A_80 : memref<800x32xf32, #tpu.memory_space<hbm>>) target_semaphore(%arg23 : memref<!tpu.dma_semaphore, #tpu.memory_space<semaphore_mem>>)
    %dma_wait3A_81 = arith.constant 0 : i32
    %dma_wait3A_82 = tpu.memref_slice %arg4[%mul3A_2, %dma_wait3A_81] : memref<3276800x32xf32, #tpu.memory_space<hbm>> -> memref<800x32xf32, #tpu.memory_space<hbm>>
    %dma_wait3A_83 = arith.constant 0 : i32
    %dma_wait3A_84 = tpu.memref_slice %arg4[%mul3A_2, %dma_wait3A_83] : memref<3276800x32xf32, #tpu.memory_space<hbm>> -> memref<800x32xf32, #tpu.memory_space<hbm>>
    tpu.wait_dma2 semaphore(%arg22 : memref<!tpu.dma_semaphore, #tpu.memory_space<semaphore_mem>>) src(%arg10 : memref<800x32xf32, #tpu.memory_space<vmem>>) dst(%dma_wait3A_84 : memref<800x32xf32, #tpu.memory_space<hbm>>)
    %dma_wait3A_85 = tpu.memref_slice %arg3[%mul3A_2] : memref<3276800xi32, #tpu.memory_space<hbm>> -> memref<800xi32, #tpu.memory_space<hbm>>
    %dma_wait3A_86 = tpu.memref_slice %arg3[%mul3A_2] : memref<3276800xi32, #tpu.memory_space<hbm>> -> memref<800xi32, #tpu.memory_space<hbm>>
    tpu.wait_dma2 semaphore(%arg14 : memref<!tpu.dma_semaphore, #tpu.memory_space<semaphore_mem>>) src(%dma_wait3A_86 : memref<800xi32, #tpu.memory_space<hbm>>) dst(%arg6 : memref<800xi32, #tpu.memory_space<vmem>>)
    %dma_start3A_87 = arith.constant 0 : i32
    %dma_start3A_88 = arith.constant 0 : i32
    %dma_start3A_89 = tpu.memref_slice %arg2[%dma_start3A_87, %dma_start3A_88] : memref<1000000x32xf32, #tpu.memory_space<hbm>> -> memref<1000000x32xf32, #tpu.memory_space<hbm>>
    tpu.enqueue_indirect_dma source(%dma_start3A_89 : memref<1000000x32xf32, #tpu.memory_space<hbm>>) target(%arg10 : memref<800x32xf32, #tpu.memory_space<vmem>>) offsets(%arg6 : memref<800xi32, #tpu.memory_space<vmem>>) semaphore(%arg18 : memref<!tpu.dma_semaphore, #tpu.memory_space<semaphore_mem>>)
    %add3A_90 = arith.constant 4800 : i32
    %add3A_91 = arith.addi %mul3A_2, %add3A_90 : i32
    %dma_start3A_92 = tpu.memref_slice %arg3[%add3A_91] : memref<3276800xi32, #tpu.memory_space<hbm>> -> memref<800xi32, #tpu.memory_space<hbm>>
    %dma_start3A_93 = tpu.memref_slice %arg3[%add3A_91] : memref<3276800xi32, #tpu.memory_space<hbm>> -> memref<800xi32, #tpu.memory_space<hbm>>
    tpu.enqueue_dma source(%dma_start3A_93 : memref<800xi32, #tpu.memory_space<hbm>>) target(%arg7 : memref<800xi32, #tpu.memory_space<vmem>>) target_semaphore(%arg15 : memref<!tpu.dma_semaphore, #tpu.memory_space<semaphore_mem>>)
    %dma_wait3A_94 = arith.constant 0 : i32
    %dma_wait3A_95 = arith.constant 0 : i32
    %dma_wait3A_96 = tpu.memref_slice %arg2[%dma_wait3A_94, %dma_wait3A_95] : memref<1000000x32xf32, #tpu.memory_space<hbm>> -> memref<1000000x32xf32, #tpu.memory_space<hbm>>
    tpu.wait_indirect_dma semaphore(%arg20 : memref<!tpu.dma_semaphore, #tpu.memory_space<semaphore_mem>>) src(%dma_wait3A_96 : memref<1000000x32xf32, #tpu.memory_space<hbm>>) dst(%arg12 : memref<800x32xf32, #tpu.memory_space<vmem>>)
    %add3A_97 = arith.constant 2400 : i32
    %add3A_98 = arith.addi %mul3A_2, %add3A_97 : i32
    %dma_start3A_99 = arith.constant 0 : i32
    %dma_start3A_100 = tpu.memref_slice %arg4[%add3A_98, %dma_start3A_99] : memref<3276800x32xf32, #tpu.memory_space<hbm>> -> memref<800x32xf32, #tpu.memory_space<hbm>>
    %dma_start3A_101 = arith.constant 0 : i32
    %dma_start3A_102 = tpu.memref_slice %arg4[%add3A_98, %dma_start3A_101] : memref<3276800x32xf32, #tpu.memory_space<hbm>> -> memref<800x32xf32, #tpu.memory_space<hbm>>
    tpu.enqueue_dma source(%arg12 : memref<800x32xf32, #tpu.memory_space<vmem>>) target(%dma_start3A_102 : memref<800x32xf32, #tpu.memory_space<hbm>>) target_semaphore(%arg24 : memref<!tpu.dma_semaphore, #tpu.memory_space<semaphore_mem>>)
    %dma_wait3A_103 = arith.constant 0 : i32
    %dma_wait3A_104 = tpu.memref_slice %arg4[%mul3A_2, %dma_wait3A_103] : memref<3276800x32xf32, #tpu.memory_space<hbm>> -> memref<800x32xf32, #tpu.memory_space<hbm>>
    %dma_wait3A_105 = arith.constant 0 : i32
    %dma_wait3A_106 = tpu.memref_slice %arg4[%mul3A_2, %dma_wait3A_105] : memref<3276800x32xf32, #tpu.memory_space<hbm>> -> memref<800x32xf32, #tpu.memory_space<hbm>>
    tpu.wait_dma2 semaphore(%arg23 : memref<!tpu.dma_semaphore, #tpu.memory_space<semaphore_mem>>) src(%arg11 : memref<800x32xf32, #tpu.memory_space<vmem>>) dst(%dma_wait3A_106 : memref<800x32xf32, #tpu.memory_space<hbm>>)
    %dma_wait3A_107 = tpu.memref_slice %arg3[%mul3A_2] : memref<3276800xi32, #tpu.memory_space<hbm>> -> memref<800xi32, #tpu.memory_space<hbm>>
    %dma_wait3A_108 = tpu.memref_slice %arg3[%mul3A_2] : memref<3276800xi32, #tpu.memory_space<hbm>> -> memref<800xi32, #tpu.memory_space<hbm>>
    tpu.wait_dma2 semaphore(%arg15 : memref<!tpu.dma_semaphore, #tpu.memory_space<semaphore_mem>>) src(%dma_wait3A_108 : memref<800xi32, #tpu.memory_space<hbm>>) dst(%arg7 : memref<800xi32, #tpu.memory_space<vmem>>)
    %dma_start3A_109 = arith.constant 0 : i32
    %dma_start3A_110 = arith.constant 0 : i32
    %dma_start3A_111 = tpu.memref_slice %arg2[%dma_start3A_109, %dma_start3A_110] : memref<1000000x32xf32, #tpu.memory_space<hbm>> -> memref<1000000x32xf32, #tpu.memory_space<hbm>>
    tpu.enqueue_indirect_dma source(%dma_start3A_111 : memref<1000000x32xf32, #tpu.memory_space<hbm>>) target(%arg11 : memref<800x32xf32, #tpu.memory_space<vmem>>) offsets(%arg7 : memref<800xi32, #tpu.memory_space<vmem>>) semaphore(%arg19 : memref<!tpu.dma_semaphore, #tpu.memory_space<semaphore_mem>>)
    %add3A_112 = arith.constant 5600 : i32
    %add3A_113 = arith.addi %mul3A_2, %add3A_112 : i32
    %dma_start3A_114 = tpu.memref_slice %arg3[%add3A_113] : memref<3276800xi32, #tpu.memory_space<hbm>> -> memref<800xi32, #tpu.memory_space<hbm>>
    %dma_start3A_115 = tpu.memref_slice %arg3[%add3A_113] : memref<3276800xi32, #tpu.memory_space<hbm>> -> memref<800xi32, #tpu.memory_space<hbm>>
    tpu.enqueue_dma source(%dma_start3A_115 : memref<800xi32, #tpu.memory_space<hbm>>) target(%arg8 : memref<800xi32, #tpu.memory_space<vmem>>) target_semaphore(%arg16 : memref<!tpu.dma_semaphore, #tpu.memory_space<semaphore_mem>>)
    %scan3A = arith.constant 0 : i32
    %scan3A_116 = arith.constant 1 : i32
    %scan3A_117 = arith.constant 30 : i32
    %scan3A_118 = arith.addi %scan3A_116, %scan3A_117 : i32
    %scan3A_119 = arith.constant 1 : i32
    scf.for %scan3A_182 = %scan3A_116 to %scan3A_118 step %scan3A_119  : i32 {
      %mul3A_183 = arith.constant 4 : i32
      %mul3A_184 = arith.muli %scan3A_182, %mul3A_183 : i32
      %add3A_185 = arith.constant 0 : i32
      %add3A_186 = arith.addi %mul3A_184, %add3A_185 : i32
      %dma_wait3A_187 = arith.constant 0 : i32
      %dma_wait3A_188 = arith.constant 0 : i32
      %dma_wait3A_189 = tpu.memref_slice %arg2[%dma_wait3A_187, %dma_wait3A_188] : memref<1000000x32xf32, #tpu.memory_space<hbm>> -> memref<1000000x32xf32, #tpu.memory_space<hbm>>
      tpu.wait_indirect_dma semaphore(%arg17 : memref<!tpu.dma_semaphore, #tpu.memory_space<semaphore_mem>>) src(%dma_wait3A_189 : memref<1000000x32xf32, #tpu.memory_space<hbm>>) dst(%arg9 : memref<800x32xf32, #tpu.memory_space<vmem>>)
      %mul3A_190 = arith.constant 800 : i32
      %mul3A_191 = arith.muli %add3A_186, %mul3A_190 : i32
      %add3A_192 = arith.addi %mul3A_2, %mul3A_191 : i32
      %dma_start3A_193 = arith.constant 0 : i32
      %dma_start3A_194 = tpu.memref_slice %arg4[%add3A_192, %dma_start3A_193] : memref<3276800x32xf32, #tpu.memory_space<hbm>> -> memref<800x32xf32, #tpu.memory_space<hbm>>
      %dma_start3A_195 = arith.constant 0 : i32
      %dma_start3A_196 = tpu.memref_slice %arg4[%add3A_192, %dma_start3A_195] : memref<3276800x32xf32, #tpu.memory_space<hbm>> -> memref<800x32xf32, #tpu.memory_space<hbm>>
      tpu.enqueue_dma source(%arg9 : memref<800x32xf32, #tpu.memory_space<vmem>>) target(%dma_start3A_196 : memref<800x32xf32, #tpu.memory_space<hbm>>) target_semaphore(%arg21 : memref<!tpu.dma_semaphore, #tpu.memory_space<semaphore_mem>>)
      %dma_wait3A_197 = arith.constant 0 : i32
      %dma_wait3A_198 = tpu.memref_slice %arg4[%mul3A_2, %dma_wait3A_197] : memref<3276800x32xf32, #tpu.memory_space<hbm>> -> memref<800x32xf32, #tpu.memory_space<hbm>>
      %dma_wait3A_199 = arith.constant 0 : i32
      %dma_wait3A_200 = tpu.memref_slice %arg4[%mul3A_2, %dma_wait3A_199] : memref<3276800x32xf32, #tpu.memory_space<hbm>> -> memref<800x32xf32, #tpu.memory_space<hbm>>
      tpu.wait_dma2 semaphore(%arg24 : memref<!tpu.dma_semaphore, #tpu.memory_space<semaphore_mem>>) src(%arg12 : memref<800x32xf32, #tpu.memory_space<vmem>>) dst(%dma_wait3A_200 : memref<800x32xf32, #tpu.memory_space<hbm>>)
      %dma_wait3A_201 = tpu.memref_slice %arg3[%mul3A_2] : memref<3276800xi32, #tpu.memory_space<hbm>> -> memref<800xi32, #tpu.memory_space<hbm>>
      %dma_wait3A_202 = tpu.memref_slice %arg3[%mul3A_2] : memref<3276800xi32, #tpu.memory_space<hbm>> -> memref<800xi32, #tpu.memory_space<hbm>>
      tpu.wait_dma2 semaphore(%arg16 : memref<!tpu.dma_semaphore, #tpu.memory_space<semaphore_mem>>) src(%dma_wait3A_202 : memref<800xi32, #tpu.memory_space<hbm>>) dst(%arg8 : memref<800xi32, #tpu.memory_space<vmem>>)
      %dma_start3A_203 = arith.constant 0 : i32
      %dma_start3A_204 = arith.constant 0 : i32
      %dma_start3A_205 = tpu.memref_slice %arg2[%dma_start3A_203, %dma_start3A_204] : memref<1000000x32xf32, #tpu.memory_space<hbm>> -> memref<1000000x32xf32, #tpu.memory_space<hbm>>
      tpu.enqueue_indirect_dma source(%dma_start3A_205 : memref<1000000x32xf32, #tpu.memory_space<hbm>>) target(%arg12 : memref<800x32xf32, #tpu.memory_space<vmem>>) offsets(%arg8 : memref<800xi32, #tpu.memory_space<vmem>>) semaphore(%arg20 : memref<!tpu.dma_semaphore, #tpu.memory_space<semaphore_mem>>)
      %add3A_206 = arith.constant 4 : i32
      %add3A_207 = arith.addi %add3A_186, %add3A_206 : i32
      %mul3A_208 = arith.constant 800 : i32
      %mul3A_209 = arith.muli %add3A_207, %mul3A_208 : i32
      %add3A_210 = arith.addi %mul3A_2, %mul3A_209 : i32
      %dma_start3A_211 = tpu.memref_slice %arg3[%add3A_210] : memref<3276800xi32, #tpu.memory_space<hbm>> -> memref<800xi32, #tpu.memory_space<hbm>>
      %dma_start3A_212 = tpu.memref_slice %arg3[%add3A_210] : memref<3276800xi32, #tpu.memory_space<hbm>> -> memref<800xi32, #tpu.memory_space<hbm>>
      tpu.enqueue_dma source(%dma_start3A_212 : memref<800xi32, #tpu.memory_space<hbm>>) target(%arg5 : memref<800xi32, #tpu.memory_space<vmem>>) target_semaphore(%arg13 : memref<!tpu.dma_semaphore, #tpu.memory_space<semaphore_mem>>)
      %add3A_213 = arith.constant 1 : i32
      %add3A_214 = arith.addi %mul3A_184, %add3A_213 : i32
      %dma_wait3A_215 = arith.constant 0 : i32
      %dma_wait3A_216 = arith.constant 0 : i32
      %dma_wait3A_217 = tpu.memref_slice %arg2[%dma_wait3A_215, %dma_wait3A_216] : memref<1000000x32xf32, #tpu.memory_space<hbm>> -> memref<1000000x32xf32, #tpu.memory_space<hbm>>
      tpu.wait_indirect_dma semaphore(%arg18 : memref<!tpu.dma_semaphore, #tpu.memory_space<semaphore_mem>>) src(%dma_wait3A_217 : memref<1000000x32xf32, #tpu.memory_space<hbm>>) dst(%arg10 : memref<800x32xf32, #tpu.memory_space<vmem>>)
      %mul3A_218 = arith.constant 800 : i32
      %mul3A_219 = arith.muli %add3A_214, %mul3A_218 : i32
      %add3A_220 = arith.addi %mul3A_2, %mul3A_219 : i32
      %dma_start3A_221 = arith.constant 0 : i32
      %dma_start3A_222 = tpu.memref_slice %arg4[%add3A_220, %dma_start3A_221] : memref<3276800x32xf32, #tpu.memory_space<hbm>> -> memref<800x32xf32, #tpu.memory_space<hbm>>
      %dma_start3A_223 = arith.constant 0 : i32
      %dma_start3A_224 = tpu.memref_slice %arg4[%add3A_220, %dma_start3A_223] : memref<3276800x32xf32, #tpu.memory_space<hbm>> -> memref<800x32xf32, #tpu.memory_space<hbm>>
      tpu.enqueue_dma source(%arg10 : memref<800x32xf32, #tpu.memory_space<vmem>>) target(%dma_start3A_224 : memref<800x32xf32, #tpu.memory_space<hbm>>) target_semaphore(%arg22 : memref<!tpu.dma_semaphore, #tpu.memory_space<semaphore_mem>>)
      %dma_wait3A_225 = arith.constant 0 : i32
      %dma_wait3A_226 = tpu.memref_slice %arg4[%mul3A_2, %dma_wait3A_225] : memref<3276800x32xf32, #tpu.memory_space<hbm>> -> memref<800x32xf32, #tpu.memory_space<hbm>>
      %dma_wait3A_227 = arith.constant 0 : i32
      %dma_wait3A_228 = tpu.memref_slice %arg4[%mul3A_2, %dma_wait3A_227] : memref<3276800x32xf32, #tpu.memory_space<hbm>> -> memref<800x32xf32, #tpu.memory_space<hbm>>
      tpu.wait_dma2 semaphore(%arg21 : memref<!tpu.dma_semaphore, #tpu.memory_space<semaphore_mem>>) src(%arg9 : memref<800x32xf32, #tpu.memory_space<vmem>>) dst(%dma_wait3A_228 : memref<800x32xf32, #tpu.memory_space<hbm>>)
      %dma_wait3A_229 = tpu.memref_slice %arg3[%mul3A_2] : memref<3276800xi32, #tpu.memory_space<hbm>> -> memref<800xi32, #tpu.memory_space<hbm>>
      %dma_wait3A_230 = tpu.memref_slice %arg3[%mul3A_2] : memref<3276800xi32, #tpu.memory_space<hbm>> -> memref<800xi32, #tpu.memory_space<hbm>>
      tpu.wait_dma2 semaphore(%arg13 : memref<!tpu.dma_semaphore, #tpu.memory_space<semaphore_mem>>) src(%dma_wait3A_230 : memref<800xi32, #tpu.memory_space<hbm>>) dst(%arg5 : memref<800xi32, #tpu.memory_space<vmem>>)
      %dma_start3A_231 = arith.constant 0 : i32
      %dma_start3A_232 = arith.constant 0 : i32
      %dma_start3A_233 = tpu.memref_slice %arg2[%dma_start3A_231, %dma_start3A_232] : memref<1000000x32xf32, #tpu.memory_space<hbm>> -> memref<1000000x32xf32, #tpu.memory_space<hbm>>
      tpu.enqueue_indirect_dma source(%dma_start3A_233 : memref<1000000x32xf32, #tpu.memory_space<hbm>>) target(%arg9 : memref<800x32xf32, #tpu.memory_space<vmem>>) offsets(%arg5 : memref<800xi32, #tpu.memory_space<vmem>>) semaphore(%arg17 : memref<!tpu.dma_semaphore, #tpu.memory_space<semaphore_mem>>)
      %add3A_234 = arith.constant 4 : i32
      %add3A_235 = arith.addi %add3A_214, %add3A_234 : i32
      %mul3A_236 = arith.constant 800 : i32
      %mul3A_237 = arith.muli %add3A_235, %mul3A_236 : i32
      %add3A_238 = arith.addi %mul3A_2, %mul3A_237 : i32
      %dma_start3A_239 = tpu.memref_slice %arg3[%add3A_238] : memref<3276800xi32, #tpu.memory_space<hbm>> -> memref<800xi32, #tpu.memory_space<hbm>>
      %dma_start3A_240 = tpu.memref_slice %arg3[%add3A_238] : memref<3276800xi32, #tpu.memory_space<hbm>> -> memref<800xi32, #tpu.memory_space<hbm>>
      tpu.enqueue_dma source(%dma_start3A_240 : memref<800xi32, #tpu.memory_space<hbm>>) target(%arg6 : memref<800xi32, #tpu.memory_space<vmem>>) target_semaphore(%arg14 : memref<!tpu.dma_semaphore, #tpu.memory_space<semaphore_mem>>)
      %add3A_241 = arith.constant 2 : i32
      %add3A_242 = arith.addi %mul3A_184, %add3A_241 : i32
      %dma_wait3A_243 = arith.constant 0 : i32
      %dma_wait3A_244 = arith.constant 0 : i32
      %dma_wait3A_245 = tpu.memref_slice %arg2[%dma_wait3A_243, %dma_wait3A_244] : memref<1000000x32xf32, #tpu.memory_space<hbm>> -> memref<1000000x32xf32, #tpu.memory_space<hbm>>
      tpu.wait_indirect_dma semaphore(%arg19 : memref<!tpu.dma_semaphore, #tpu.memory_space<semaphore_mem>>) src(%dma_wait3A_245 : memref<1000000x32xf32, #tpu.memory_space<hbm>>) dst(%arg11 : memref<800x32xf32, #tpu.memory_space<vmem>>)
      %mul3A_246 = arith.constant 800 : i32
      %mul3A_247 = arith.muli %add3A_242, %mul3A_246 : i32
      %add3A_248 = arith.addi %mul3A_2, %mul3A_247 : i32
      %dma_start3A_249 = arith.constant 0 : i32
      %dma_start3A_250 = tpu.memref_slice %arg4[%add3A_248, %dma_start3A_249] : memref<3276800x32xf32, #tpu.memory_space<hbm>> -> memref<800x32xf32, #tpu.memory_space<hbm>>
      %dma_start3A_251 = arith.constant 0 : i32
      %dma_start3A_252 = tpu.memref_slice %arg4[%add3A_248, %dma_start3A_251] : memref<3276800x32xf32, #tpu.memory_space<hbm>> -> memref<800x32xf32, #tpu.memory_space<hbm>>
      tpu.enqueue_dma source(%arg11 : memref<800x32xf32, #tpu.memory_space<vmem>>) target(%dma_start3A_252 : memref<800x32xf32, #tpu.memory_space<hbm>>) target_semaphore(%arg23 : memref<!tpu.dma_semaphore, #tpu.memory_space<semaphore_mem>>)
      %dma_wait3A_253 = arith.constant 0 : i32
      %dma_wait3A_254 = tpu.memref_slice %arg4[%mul3A_2, %dma_wait3A_253] : memref<3276800x32xf32, #tpu.memory_space<hbm>> -> memref<800x32xf32, #tpu.memory_space<hbm>>
      %dma_wait3A_255 = arith.constant 0 : i32
      %dma_wait3A_256 = tpu.memref_slice %arg4[%mul3A_2, %dma_wait3A_255] : memref<3276800x32xf32, #tpu.memory_space<hbm>> -> memref<800x32xf32, #tpu.memory_space<hbm>>
      tpu.wait_dma2 semaphore(%arg22 : memref<!tpu.dma_semaphore, #tpu.memory_space<semaphore_mem>>) src(%arg10 : memref<800x32xf32, #tpu.memory_space<vmem>>) dst(%dma_wait3A_256 : memref<800x32xf32, #tpu.memory_space<hbm>>)
      %dma_wait3A_257 = tpu.memref_slice %arg3[%mul3A_2] : memref<3276800xi32, #tpu.memory_space<hbm>> -> memref<800xi32, #tpu.memory_space<hbm>>
      %dma_wait3A_258 = tpu.memref_slice %arg3[%mul3A_2] : memref<3276800xi32, #tpu.memory_space<hbm>> -> memref<800xi32, #tpu.memory_space<hbm>>
      tpu.wait_dma2 semaphore(%arg14 : memref<!tpu.dma_semaphore, #tpu.memory_space<semaphore_mem>>) src(%dma_wait3A_258 : memref<800xi32, #tpu.memory_space<hbm>>) dst(%arg6 : memref<800xi32, #tpu.memory_space<vmem>>)
      %dma_start3A_259 = arith.constant 0 : i32
      %dma_start3A_260 = arith.constant 0 : i32
      %dma_start3A_261 = tpu.memref_slice %arg2[%dma_start3A_259, %dma_start3A_260] : memref<1000000x32xf32, #tpu.memory_space<hbm>> -> memref<1000000x32xf32, #tpu.memory_space<hbm>>
      tpu.enqueue_indirect_dma source(%dma_start3A_261 : memref<1000000x32xf32, #tpu.memory_space<hbm>>) target(%arg10 : memref<800x32xf32, #tpu.memory_space<vmem>>) offsets(%arg6 : memref<800xi32, #tpu.memory_space<vmem>>) semaphore(%arg18 : memref<!tpu.dma_semaphore, #tpu.memory_space<semaphore_mem>>)
      %add3A_262 = arith.constant 4 : i32
      %add3A_263 = arith.addi %add3A_242, %add3A_262 : i32
      %mul3A_264 = arith.constant 800 : i32
      %mul3A_265 = arith.muli %add3A_263, %mul3A_264 : i32
      %add3A_266 = arith.addi %mul3A_2, %mul3A_265 : i32
      %dma_start3A_267 = tpu.memref_slice %arg3[%add3A_266] : memref<3276800xi32, #tpu.memory_space<hbm>> -> memref<800xi32, #tpu.memory_space<hbm>>
      %dma_start3A_268 = tpu.memref_slice %arg3[%add3A_266] : memref<3276800xi32, #tpu.memory_space<hbm>> -> memref<800xi32, #tpu.memory_space<hbm>>
      tpu.enqueue_dma source(%dma_start3A_268 : memref<800xi32, #tpu.memory_space<hbm>>) target(%arg7 : memref<800xi32, #tpu.memory_space<vmem>>) target_semaphore(%arg15 : memref<!tpu.dma_semaphore, #tpu.memory_space<semaphore_mem>>)
      %add3A_269 = arith.constant 3 : i32
      %add3A_270 = arith.addi %mul3A_184, %add3A_269 : i32
      %dma_wait3A_271 = arith.constant 0 : i32
      %dma_wait3A_272 = arith.constant 0 : i32
      %dma_wait3A_273 = tpu.memref_slice %arg2[%dma_wait3A_271, %dma_wait3A_272] : memref<1000000x32xf32, #tpu.memory_space<hbm>> -> memref<1000000x32xf32, #tpu.memory_space<hbm>>
      tpu.wait_indirect_dma semaphore(%arg20 : memref<!tpu.dma_semaphore, #tpu.memory_space<semaphore_mem>>) src(%dma_wait3A_273 : memref<1000000x32xf32, #tpu.memory_space<hbm>>) dst(%arg12 : memref<800x32xf32, #tpu.memory_space<vmem>>)
      %mul3A_274 = arith.constant 800 : i32
      %mul3A_275 = arith.muli %add3A_270, %mul3A_274 : i32
      %add3A_276 = arith.addi %mul3A_2, %mul3A_275 : i32
      %dma_start3A_277 = arith.constant 0 : i32
      %dma_start3A_278 = tpu.memref_slice %arg4[%add3A_276, %dma_start3A_277] : memref<3276800x32xf32, #tpu.memory_space<hbm>> -> memref<800x32xf32, #tpu.memory_space<hbm>>
      %dma_start3A_279 = arith.constant 0 : i32
      %dma_start3A_280 = tpu.memref_slice %arg4[%add3A_276, %dma_start3A_279] : memref<3276800x32xf32, #tpu.memory_space<hbm>> -> memref<800x32xf32, #tpu.memory_space<hbm>>
      tpu.enqueue_dma source(%arg12 : memref<800x32xf32, #tpu.memory_space<vmem>>) target(%dma_start3A_280 : memref<800x32xf32, #tpu.memory_space<hbm>>) target_semaphore(%arg24 : memref<!tpu.dma_semaphore, #tpu.memory_space<semaphore_mem>>)
      %dma_wait3A_281 = arith.constant 0 : i32
      %dma_wait3A_282 = tpu.memref_slice %arg4[%mul3A_2, %dma_wait3A_281] : memref<3276800x32xf32, #tpu.memory_space<hbm>> -> memref<800x32xf32, #tpu.memory_space<hbm>>
      %dma_wait3A_283 = arith.constant 0 : i32
      %dma_wait3A_284 = tpu.memref_slice %arg4[%mul3A_2, %dma_wait3A_283] : memref<3276800x32xf32, #tpu.memory_space<hbm>> -> memref<800x32xf32, #tpu.memory_space<hbm>>
      tpu.wait_dma2 semaphore(%arg23 : memref<!tpu.dma_semaphore, #tpu.memory_space<semaphore_mem>>) src(%arg11 : memref<800x32xf32, #tpu.memory_space<vmem>>) dst(%dma_wait3A_284 : memref<800x32xf32, #tpu.memory_space<hbm>>)
      %dma_wait3A_285 = tpu.memref_slice %arg3[%mul3A_2] : memref<3276800xi32, #tpu.memory_space<hbm>> -> memref<800xi32, #tpu.memory_space<hbm>>
      %dma_wait3A_286 = tpu.memref_slice %arg3[%mul3A_2] : memref<3276800xi32, #tpu.memory_space<hbm>> -> memref<800xi32, #tpu.memory_space<hbm>>
      tpu.wait_dma2 semaphore(%arg15 : memref<!tpu.dma_semaphore, #tpu.memory_space<semaphore_mem>>) src(%dma_wait3A_286 : memref<800xi32, #tpu.memory_space<hbm>>) dst(%arg7 : memref<800xi32, #tpu.memory_space<vmem>>)
      %dma_start3A_287 = arith.constant 0 : i32
      %dma_start3A_288 = arith.constant 0 : i32
      %dma_start3A_289 = tpu.memref_slice %arg2[%dma_start3A_287, %dma_start3A_288] : memref<1000000x32xf32, #tpu.memory_space<hbm>> -> memref<1000000x32xf32, #tpu.memory_space<hbm>>
      tpu.enqueue_indirect_dma source(%dma_start3A_289 : memref<1000000x32xf32, #tpu.memory_space<hbm>>) target(%arg11 : memref<800x32xf32, #tpu.memory_space<vmem>>) offsets(%arg7 : memref<800xi32, #tpu.memory_space<vmem>>) semaphore(%arg19 : memref<!tpu.dma_semaphore, #tpu.memory_space<semaphore_mem>>)
      %add3A_290 = arith.constant 4 : i32
      %add3A_291 = arith.addi %add3A_270, %add3A_290 : i32
      %mul3A_292 = arith.constant 800 : i32
      %mul3A_293 = arith.muli %add3A_291, %mul3A_292 : i32
      %add3A_294 = arith.addi %mul3A_2, %mul3A_293 : i32
      %dma_start3A_295 = tpu.memref_slice %arg3[%add3A_294] : memref<3276800xi32, #tpu.memory_space<hbm>> -> memref<800xi32, #tpu.memory_space<hbm>>
      %dma_start3A_296 = tpu.memref_slice %arg3[%add3A_294] : memref<3276800xi32, #tpu.memory_space<hbm>> -> memref<800xi32, #tpu.memory_space<hbm>>
      tpu.enqueue_dma source(%dma_start3A_296 : memref<800xi32, #tpu.memory_space<hbm>>) target(%arg8 : memref<800xi32, #tpu.memory_space<vmem>>) target_semaphore(%arg16 : memref<!tpu.dma_semaphore, #tpu.memory_space<semaphore_mem>>)
    }
    %scan3A_120 = arith.constant 30 : i32
    %dma_wait3A_121 = arith.constant 0 : i32
    %dma_wait3A_122 = arith.constant 0 : i32
    %dma_wait3A_123 = tpu.memref_slice %arg2[%dma_wait3A_121, %dma_wait3A_122] : memref<1000000x32xf32, #tpu.memory_space<hbm>> -> memref<1000000x32xf32, #tpu.memory_space<hbm>>
    tpu.wait_indirect_dma semaphore(%arg17 : memref<!tpu.dma_semaphore, #tpu.memory_space<semaphore_mem>>) src(%dma_wait3A_123 : memref<1000000x32xf32, #tpu.memory_space<hbm>>) dst(%arg9 : memref<800x32xf32, #tpu.memory_space<vmem>>)
    %add3A_124 = arith.constant 99200 : i32
    %add3A_125 = arith.addi %mul3A_2, %add3A_124 : i32
    %dma_start3A_126 = arith.constant 0 : i32
    %dma_start3A_127 = tpu.memref_slice %arg4[%add3A_125, %dma_start3A_126] : memref<3276800x32xf32, #tpu.memory_space<hbm>> -> memref<800x32xf32, #tpu.memory_space<hbm>>
    %dma_start3A_128 = arith.constant 0 : i32
    %dma_start3A_129 = tpu.memref_slice %arg4[%add3A_125, %dma_start3A_128] : memref<3276800x32xf32, #tpu.memory_space<hbm>> -> memref<800x32xf32, #tpu.memory_space<hbm>>
    tpu.enqueue_dma source(%arg9 : memref<800x32xf32, #tpu.memory_space<vmem>>) target(%dma_start3A_129 : memref<800x32xf32, #tpu.memory_space<hbm>>) target_semaphore(%arg21 : memref<!tpu.dma_semaphore, #tpu.memory_space<semaphore_mem>>)
    %dma_wait3A_130 = arith.constant 0 : i32
    %dma_wait3A_131 = tpu.memref_slice %arg4[%mul3A_2, %dma_wait3A_130] : memref<3276800x32xf32, #tpu.memory_space<hbm>> -> memref<800x32xf32, #tpu.memory_space<hbm>>
    %dma_wait3A_132 = arith.constant 0 : i32
    %dma_wait3A_133 = tpu.memref_slice %arg4[%mul3A_2, %dma_wait3A_132] : memref<3276800x32xf32, #tpu.memory_space<hbm>> -> memref<800x32xf32, #tpu.memory_space<hbm>>
    tpu.wait_dma2 semaphore(%arg24 : memref<!tpu.dma_semaphore, #tpu.memory_space<semaphore_mem>>) src(%arg12 : memref<800x32xf32, #tpu.memory_space<vmem>>) dst(%dma_wait3A_133 : memref<800x32xf32, #tpu.memory_space<hbm>>)
    %dma_wait3A_134 = tpu.memref_slice %arg3[%mul3A_2] : memref<3276800xi32, #tpu.memory_space<hbm>> -> memref<800xi32, #tpu.memory_space<hbm>>
    %dma_wait3A_135 = tpu.memref_slice %arg3[%mul3A_2] : memref<3276800xi32, #tpu.memory_space<hbm>> -> memref<800xi32, #tpu.memory_space<hbm>>
    tpu.wait_dma2 semaphore(%arg16 : memref<!tpu.dma_semaphore, #tpu.memory_space<semaphore_mem>>) src(%dma_wait3A_135 : memref<800xi32, #tpu.memory_space<hbm>>) dst(%arg8 : memref<800xi32, #tpu.memory_space<vmem>>)
    %dma_start3A_136 = arith.constant 0 : i32
    %dma_start3A_137 = arith.constant 0 : i32
    %dma_start3A_138 = tpu.memref_slice %arg2[%dma_start3A_136, %dma_start3A_137] : memref<1000000x32xf32, #tpu.memory_space<hbm>> -> memref<1000000x32xf32, #tpu.memory_space<hbm>>
    tpu.enqueue_indirect_dma source(%dma_start3A_138 : memref<1000000x32xf32, #tpu.memory_space<hbm>>) target(%arg12 : memref<800x32xf32, #tpu.memory_space<vmem>>) offsets(%arg8 : memref<800xi32, #tpu.memory_space<vmem>>) semaphore(%arg20 : memref<!tpu.dma_semaphore, #tpu.memory_space<semaphore_mem>>)
    %dma_wait3A_139 = arith.constant 0 : i32
    %dma_wait3A_140 = arith.constant 0 : i32
    %dma_wait3A_141 = tpu.memref_slice %arg2[%dma_wait3A_139, %dma_wait3A_140] : memref<1000000x32xf32, #tpu.memory_space<hbm>> -> memref<1000000x32xf32, #tpu.memory_space<hbm>>
    tpu.wait_indirect_dma semaphore(%arg18 : memref<!tpu.dma_semaphore, #tpu.memory_space<semaphore_mem>>) src(%dma_wait3A_141 : memref<1000000x32xf32, #tpu.memory_space<hbm>>) dst(%arg10 : memref<800x32xf32, #tpu.memory_space<vmem>>)
    %add3A_142 = arith.constant 100000 : i32
    %add3A_143 = arith.addi %mul3A_2, %add3A_142 : i32
    %dma_start3A_144 = arith.constant 0 : i32
    %dma_start3A_145 = tpu.memref_slice %arg4[%add3A_143, %dma_start3A_144] : memref<3276800x32xf32, #tpu.memory_space<hbm>> -> memref<800x32xf32, #tpu.memory_space<hbm>>
    %dma_start3A_146 = arith.constant 0 : i32
    %dma_start3A_147 = tpu.memref_slice %arg4[%add3A_143, %dma_start3A_146] : memref<3276800x32xf32, #tpu.memory_space<hbm>> -> memref<800x32xf32, #tpu.memory_space<hbm>>
    tpu.enqueue_dma source(%arg10 : memref<800x32xf32, #tpu.memory_space<vmem>>) target(%dma_start3A_147 : memref<800x32xf32, #tpu.memory_space<hbm>>) target_semaphore(%arg22 : memref<!tpu.dma_semaphore, #tpu.memory_space<semaphore_mem>>)
    %dma_wait3A_148 = arith.constant 0 : i32
    %dma_wait3A_149 = tpu.memref_slice %arg4[%mul3A_2, %dma_wait3A_148] : memref<3276800x32xf32, #tpu.memory_space<hbm>> -> memref<800x32xf32, #tpu.memory_space<hbm>>
    %dma_wait3A_150 = arith.constant 0 : i32
    %dma_wait3A_151 = tpu.memref_slice %arg4[%mul3A_2, %dma_wait3A_150] : memref<3276800x32xf32, #tpu.memory_space<hbm>> -> memref<800x32xf32, #tpu.memory_space<hbm>>
    tpu.wait_dma2 semaphore(%arg21 : memref<!tpu.dma_semaphore, #tpu.memory_space<semaphore_mem>>) src(%arg9 : memref<800x32xf32, #tpu.memory_space<vmem>>) dst(%dma_wait3A_151 : memref<800x32xf32, #tpu.memory_space<hbm>>)
    %dma_wait3A_152 = arith.constant 0 : i32
    %dma_wait3A_153 = arith.constant 0 : i32
    %dma_wait3A_154 = tpu.memref_slice %arg2[%dma_wait3A_152, %dma_wait3A_153] : memref<1000000x32xf32, #tpu.memory_space<hbm>> -> memref<1000000x32xf32, #tpu.memory_space<hbm>>
    tpu.wait_indirect_dma semaphore(%arg19 : memref<!tpu.dma_semaphore, #tpu.memory_space<semaphore_mem>>) src(%dma_wait3A_154 : memref<1000000x32xf32, #tpu.memory_space<hbm>>) dst(%arg11 : memref<800x32xf32, #tpu.memory_space<vmem>>)
    %add3A_155 = arith.constant 100800 : i32
    %add3A_156 = arith.addi %mul3A_2, %add3A_155 : i32
    %dma_start3A_157 = arith.constant 0 : i32
    %dma_start3A_158 = tpu.memref_slice %arg4[%add3A_156, %dma_start3A_157] : memref<3276800x32xf32, #tpu.memory_space<hbm>> -> memref<800x32xf32, #tpu.memory_space<hbm>>
    %dma_start3A_159 = arith.constant 0 : i32
    %dma_start3A_160 = tpu.memref_slice %arg4[%add3A_156, %dma_start3A_159] : memref<3276800x32xf32, #tpu.memory_space<hbm>> -> memref<800x32xf32, #tpu.memory_space<hbm>>
    tpu.enqueue_dma source(%arg11 : memref<800x32xf32, #tpu.memory_space<vmem>>) target(%dma_start3A_160 : memref<800x32xf32, #tpu.memory_space<hbm>>) target_semaphore(%arg23 : memref<!tpu.dma_semaphore, #tpu.memory_space<semaphore_mem>>)
    %dma_wait3A_161 = arith.constant 0 : i32
    %dma_wait3A_162 = tpu.memref_slice %arg4[%mul3A_2, %dma_wait3A_161] : memref<3276800x32xf32, #tpu.memory_space<hbm>> -> memref<800x32xf32, #tpu.memory_space<hbm>>
    %dma_wait3A_163 = arith.constant 0 : i32
    %dma_wait3A_164 = tpu.memref_slice %arg4[%mul3A_2, %dma_wait3A_163] : memref<3276800x32xf32, #tpu.memory_space<hbm>> -> memref<800x32xf32, #tpu.memory_space<hbm>>
    tpu.wait_dma2 semaphore(%arg22 : memref<!tpu.dma_semaphore, #tpu.memory_space<semaphore_mem>>) src(%arg10 : memref<800x32xf32, #tpu.memory_space<vmem>>) dst(%dma_wait3A_164 : memref<800x32xf32, #tpu.memory_space<hbm>>)
    %dma_wait3A_165 = arith.constant 0 : i32
    %dma_wait3A_166 = arith.constant 0 : i32
    %dma_wait3A_167 = tpu.memref_slice %arg2[%dma_wait3A_165, %dma_wait3A_166] : memref<1000000x32xf32, #tpu.memory_space<hbm>> -> memref<1000000x32xf32, #tpu.memory_space<hbm>>
    tpu.wait_indirect_dma semaphore(%arg20 : memref<!tpu.dma_semaphore, #tpu.memory_space<semaphore_mem>>) src(%dma_wait3A_167 : memref<1000000x32xf32, #tpu.memory_space<hbm>>) dst(%arg12 : memref<800x32xf32, #tpu.memory_space<vmem>>)
    %add3A_168 = arith.constant 101600 : i32
    %add3A_169 = arith.addi %mul3A_2, %add3A_168 : i32
    %dma_start3A_170 = arith.constant 0 : i32
    %dma_start3A_171 = tpu.memref_slice %arg4[%add3A_169, %dma_start3A_170] : memref<3276800x32xf32, #tpu.memory_space<hbm>> -> memref<800x32xf32, #tpu.memory_space<hbm>>
    %dma_start3A_172 = arith.constant 0 : i32
    %dma_start3A_173 = tpu.memref_slice %arg4[%add3A_169, %dma_start3A_172] : memref<3276800x32xf32, #tpu.memory_space<hbm>> -> memref<800x32xf32, #tpu.memory_space<hbm>>
    tpu.enqueue_dma source(%arg12 : memref<800x32xf32, #tpu.memory_space<vmem>>) target(%dma_start3A_173 : memref<800x32xf32, #tpu.memory_space<hbm>>) target_semaphore(%arg24 : memref<!tpu.dma_semaphore, #tpu.memory_space<semaphore_mem>>)
    %dma_wait3A_174 = arith.constant 0 : i32
    %dma_wait3A_175 = tpu.memref_slice %arg4[%mul3A_2, %dma_wait3A_174] : memref<3276800x32xf32, #tpu.memory_space<hbm>> -> memref<800x32xf32, #tpu.memory_space<hbm>>
    %dma_wait3A_176 = arith.constant 0 : i32
    %dma_wait3A_177 = tpu.memref_slice %arg4[%mul3A_2, %dma_wait3A_176] : memref<3276800x32xf32, #tpu.memory_space<hbm>> -> memref<800x32xf32, #tpu.memory_space<hbm>>
    tpu.wait_dma2 semaphore(%arg23 : memref<!tpu.dma_semaphore, #tpu.memory_space<semaphore_mem>>) src(%arg11 : memref<800x32xf32, #tpu.memory_space<vmem>>) dst(%dma_wait3A_177 : memref<800x32xf32, #tpu.memory_space<hbm>>)
    %dma_wait3A_178 = arith.constant 0 : i32
    %dma_wait3A_179 = tpu.memref_slice %arg4[%mul3A_2, %dma_wait3A_178] : memref<3276800x32xf32, #tpu.memory_space<hbm>> -> memref<800x32xf32, #tpu.memory_space<hbm>>
    %dma_wait3A_180 = arith.constant 0 : i32
    %dma_wait3A_181 = tpu.memref_slice %arg4[%mul3A_2, %dma_wait3A_180] : memref<3276800x32xf32, #tpu.memory_space<hbm>> -> memref<800x32xf32, #tpu.memory_space<hbm>>
    tpu.wait_dma2 semaphore(%arg24 : memref<!tpu.dma_semaphore, #tpu.memory_space<semaphore_mem>>) src(%arg12 : memref<800x32xf32, #tpu.memory_space<vmem>>) dst(%dma_wait3A_181 : memref<800x32xf32, #tpu.memory_space<hbm>>)
    return
  }
}

#map = affine_map<(d0, d1) -> (0)>
#map1 = affine_map<(d0, d1) -> (0, 0, 0)>
module attributes {stable_mosaic.version = 14 : i64} {
  func.func @body(%arg0: i32, %arg1: i32, %arg2: memref<104857600xf32, #tpu.memory_space<hbm>>, %arg3: memref<200x32x16384xf32, #tpu.memory_space<hbm>>, %arg4: memref<16384xf32, #tpu.memory_space<vmem>>, %arg5: memref<16384xf32, #tpu.memory_space<vmem>>, %arg6: memref<1x32x512xf32, #tpu.memory_space<vmem>>, %arg7: memref<1x32x512xf32, #tpu.memory_space<vmem>>, %arg8: memref<!tpu.dma_semaphore, #tpu.memory_space<semaphore_mem>>, %arg9: memref<!tpu.dma_semaphore, #tpu.memory_space<semaphore_mem>>, %arg10: memref<!tpu.dma_semaphore, #tpu.memory_space<semaphore_mem>>, %arg11: memref<!tpu.dma_semaphore, #tpu.memory_space<semaphore_mem>>) attributes {dimension_semantics = [#tpu.dimension_semantics<core_parallel>, #tpu.dimension_semantics<subcore_parallel>], iteration_bounds = array<i64: 2, 16>, scalar_prefetch = 0 : i64, scratch_operands = 8 : i64, tpu.core_type = #tpu.core_type<sc_vector_subcore>, window_params = [{transform_indices = #map}, {transform_indices = #map1}]} {
    %mul3A = arith.constant 2 : i32
    %mul3A_0 = arith.muli %arg1, %mul3A : i32
    %add3A = arith.addi %mul3A_0, %arg0 : i32
    %mul3A_1 = arith.constant 512 : i32
    %mul3A_2 = arith.muli %add3A, %mul3A_1 : i32
    %iota3A = tpu.iota {dimensions = array<i32: 0>} : vector<16xi32>
    %mul3A_3 = arith.constant 32 : i32
    %mul3A_4 = vector.broadcast %mul3A_3 : i32 to vector<16xi32>
    %mul3A_5 = arith.muli %iota3A, %mul3A_4 : vector<16xi32>
    %add3A_6 = arith.constant 0 : i32
    %add3A_7 = arith.addi %add3A_6, %mul3A_2 : i32
    %mul3A_8 = arith.constant 32 : i32
    %mul3A_9 = arith.muli %add3A_7, %mul3A_8 : i32
    %dma_start3A = tpu.memref_slice %arg2[%mul3A_9] : memref<104857600xf32, #tpu.memory_space<hbm>> -> memref<16384xf32, #tpu.memory_space<hbm>>
    %dma_start3A_10 = tpu.memref_slice %arg2[%mul3A_9] : memref<104857600xf32, #tpu.memory_space<hbm>> -> memref<16384xf32, #tpu.memory_space<hbm>>
    tpu.enqueue_dma source(%dma_start3A_10 : memref<16384xf32, #tpu.memory_space<hbm>>) target(%arg4 : memref<16384xf32, #tpu.memory_space<vmem>>) target_semaphore(%arg8 : memref<!tpu.dma_semaphore, #tpu.memory_space<semaphore_mem>>)
    %dma_wait3A = arith.constant 0 : i32
    %dma_wait3A_11 = tpu.memref_slice %arg2[%dma_wait3A] : memref<104857600xf32, #tpu.memory_space<hbm>> -> memref<16384xf32, #tpu.memory_space<hbm>>
    %dma_wait3A_12 = arith.constant 0 : i32
    %dma_wait3A_13 = tpu.memref_slice %arg2[%dma_wait3A_12] : memref<104857600xf32, #tpu.memory_space<hbm>> -> memref<16384xf32, #tpu.memory_space<hbm>>
    tpu.wait_dma2 semaphore(%arg8 : memref<!tpu.dma_semaphore, #tpu.memory_space<semaphore_mem>>) src(%dma_wait3A_13 : memref<16384xf32, #tpu.memory_space<hbm>>) dst(%arg4 : memref<16384xf32, #tpu.memory_space<vmem>>)
    %add3A_14 = arith.constant 16384 : i32
    %add3A_15 = arith.addi %add3A_14, %mul3A_2 : i32
    %mul3A_16 = arith.constant 32 : i32
    %mul3A_17 = arith.muli %add3A_15, %mul3A_16 : i32
    %dma_start3A_18 = tpu.memref_slice %arg2[%mul3A_17] : memref<104857600xf32, #tpu.memory_space<hbm>> -> memref<16384xf32, #tpu.memory_space<hbm>>
    %dma_start3A_19 = tpu.memref_slice %arg2[%mul3A_17] : memref<104857600xf32, #tpu.memory_space<hbm>> -> memref<16384xf32, #tpu.memory_space<hbm>>
    tpu.enqueue_dma source(%dma_start3A_19 : memref<16384xf32, #tpu.memory_space<hbm>>) target(%arg5 : memref<16384xf32, #tpu.memory_space<vmem>>) target_semaphore(%arg9 : memref<!tpu.dma_semaphore, #tpu.memory_space<semaphore_mem>>)
    %iota3A_20 = tpu.iota {dimensions = array<i32: 0>} : vector<16xi32>
    %mul3A_21 = arith.constant 0 : i32
    %mul3A_22 = vector.broadcast %mul3A_21 : i32 to vector<16xi32>
    %mul3A_23 = arith.muli %iota3A_20, %mul3A_22 : vector<16xi32>
    %iota3A_24 = tpu.iota {dimensions = array<i32: 0>} : vector<16xi32>
    %add3A_25 = arith.constant 16 : i32
    %add3A_26 = vector.broadcast %add3A_25 : i32 to vector<16xi32>
    %add3A_27 = arith.addi %iota3A_24, %add3A_26 : vector<16xi32>
    %parallel_loop3A = arith.constant 0 : i32
    %parallel_loop3A_28 = arith.constant 512 : i32
    %parallel_loop3A_29 = arith.constant 1 : i32
    scf.for %parallel_loop3A_140 = %parallel_loop3A to %parallel_loop3A_28 step %parallel_loop3A_29  : i32 {
      %parallel_loop3A_141 = vector.broadcast %parallel_loop3A_140 : i32 to vector<16xi32>
      %parallel_loop3A_142 = arith.addi %mul3A_23, %parallel_loop3A_141 : vector<16xi32>
      %parallel_loop3A_143 = arith.constant 32 : i32
      %parallel_loop3A_144 = arith.muli %parallel_loop3A_140, %parallel_loop3A_143 : i32
      %parallel_loop3A_145 = arith.index_cast %parallel_loop3A_144 : i32 to index
      %parallel_loop3A_146 = tpu.vector_load %arg4[%parallel_loop3A_145] {strides = array<i32>} : memref<16384xf32, #tpu.memory_space<vmem>>, vector<16xf32>,
      %parallel_loop3A_147 = arith.constant 32 : i32
      %parallel_loop3A_148 = arith.muli %parallel_loop3A_140, %parallel_loop3A_147 : i32
      %parallel_loop3A_149 = arith.constant 16 : i32
      %parallel_loop3A_150 = arith.addi %parallel_loop3A_148, %parallel_loop3A_149 : i32
      %parallel_loop3A_151 = arith.index_cast %parallel_loop3A_150 : i32 to index
      %parallel_loop3A_152 = tpu.vector_load %arg4[%parallel_loop3A_151] {strides = array<i32>} : memref<16384xf32, #tpu.memory_space<vmem>>, vector<16xf32>,
      tpu.vector_store_idx %arg6[%mul3A_23, %iota3A_24, %parallel_loop3A_142], %parallel_loop3A_146 : memref<1x32x512xf32, #tpu.memory_space<vmem>>[vector<16xi32>, vector<16xi32>, vector<16xi32>], vector<16xf32>,
      tpu.vector_store_idx %arg6[%mul3A_23, %add3A_27, %parallel_loop3A_142], %parallel_loop3A_152 : memref<1x32x512xf32, #tpu.memory_space<vmem>>[vector<16xi32>, vector<16xi32>, vector<16xi32>], vector<16xf32>,
    } {sc.loop_unroll_factor = 4 : i64, sc.parallel_access}
    %dma_start3A_30 = arith.constant 0 : i32
    %dma_start3A_31 = arith.constant 0 : i32
    %dma_start3A_32 = tpu.memref_slice %arg3[%dma_start3A_30, %dma_start3A_31, %mul3A_2] : memref<200x32x16384xf32, #tpu.memory_space<hbm>> -> memref<1x32x512xf32, #tpu.memory_space<hbm>>
    %dma_start3A_33 = arith.constant 0 : i32
    %dma_start3A_34 = arith.constant 0 : i32
    %dma_start3A_35 = tpu.memref_slice %arg3[%dma_start3A_33, %dma_start3A_34, %mul3A_2] : memref<200x32x16384xf32, #tpu.memory_space<hbm>> -> memref<1x32x512xf32, #tpu.memory_space<hbm>>
    tpu.enqueue_dma source(%arg6 : memref<1x32x512xf32, #tpu.memory_space<vmem>>) target(%dma_start3A_35 : memref<1x32x512xf32, #tpu.memory_space<hbm>>) target_semaphore(%arg10 : memref<!tpu.dma_semaphore, #tpu.memory_space<semaphore_mem>>)
    %dma_wait3A_36 = arith.constant 0 : i32
    %dma_wait3A_37 = tpu.memref_slice %arg2[%dma_wait3A_36] : memref<104857600xf32, #tpu.memory_space<hbm>> -> memref<16384xf32, #tpu.memory_space<hbm>>
    %dma_wait3A_38 = arith.constant 0 : i32
    %dma_wait3A_39 = tpu.memref_slice %arg2[%dma_wait3A_38] : memref<104857600xf32, #tpu.memory_space<hbm>> -> memref<16384xf32, #tpu.memory_space<hbm>>
    tpu.wait_dma2 semaphore(%arg9 : memref<!tpu.dma_semaphore, #tpu.memory_space<semaphore_mem>>) src(%dma_wait3A_39 : memref<16384xf32, #tpu.memory_space<hbm>>) dst(%arg5 : memref<16384xf32, #tpu.memory_space<vmem>>)
    %add3A_40 = arith.constant 32768 : i32
    %add3A_41 = arith.addi %add3A_40, %mul3A_2 : i32
    %mul3A_42 = arith.constant 32 : i32
    %mul3A_43 = arith.muli %add3A_41, %mul3A_42 : i32
    %dma_start3A_44 = tpu.memref_slice %arg2[%mul3A_43] : memref<104857600xf32, #tpu.memory_space<hbm>> -> memref<16384xf32, #tpu.memory_space<hbm>>
    %dma_start3A_45 = tpu.memref_slice %arg2[%mul3A_43] : memref<104857600xf32, #tpu.memory_space<hbm>> -> memref<16384xf32, #tpu.memory_space<hbm>>
    tpu.enqueue_dma source(%dma_start3A_45 : memref<16384xf32, #tpu.memory_space<hbm>>) target(%arg4 : memref<16384xf32, #tpu.memory_space<vmem>>) target_semaphore(%arg8 : memref<!tpu.dma_semaphore, #tpu.memory_space<semaphore_mem>>)
    %iota3A_46 = tpu.iota {dimensions = array<i32: 0>} : vector<16xi32>
    %mul3A_47 = arith.constant 0 : i32
    %mul3A_48 = vector.broadcast %mul3A_47 : i32 to vector<16xi32>
    %mul3A_49 = arith.muli %iota3A_46, %mul3A_48 : vector<16xi32>
    %iota3A_50 = tpu.iota {dimensions = array<i32: 0>} : vector<16xi32>
    %add3A_51 = arith.constant 16 : i32
    %add3A_52 = vector.broadcast %add3A_51 : i32 to vector<16xi32>
    %add3A_53 = arith.addi %iota3A_50, %add3A_52 : vector<16xi32>
    %parallel_loop3A_54 = arith.constant 0 : i32
    %parallel_loop3A_55 = arith.constant 512 : i32
    %parallel_loop3A_56 = arith.constant 1 : i32
    scf.for %parallel_loop3A_140 = %parallel_loop3A_54 to %parallel_loop3A_55 step %parallel_loop3A_56  : i32 {
      %parallel_loop3A_141 = vector.broadcast %parallel_loop3A_140 : i32 to vector<16xi32>
      %parallel_loop3A_142 = arith.addi %mul3A_49, %parallel_loop3A_141 : vector<16xi32>
      %parallel_loop3A_143 = arith.constant 32 : i32
      %parallel_loop3A_144 = arith.muli %parallel_loop3A_140, %parallel_loop3A_143 : i32
      %parallel_loop3A_145 = arith.index_cast %parallel_loop3A_144 : i32 to index
      %parallel_loop3A_146 = tpu.vector_load %arg5[%parallel_loop3A_145] {strides = array<i32>} : memref<16384xf32, #tpu.memory_space<vmem>>, vector<16xf32>,
      %parallel_loop3A_147 = arith.constant 32 : i32
      %parallel_loop3A_148 = arith.muli %parallel_loop3A_140, %parallel_loop3A_147 : i32
      %parallel_loop3A_149 = arith.constant 16 : i32
      %parallel_loop3A_150 = arith.addi %parallel_loop3A_148, %parallel_loop3A_149 : i32
      %parallel_loop3A_151 = arith.index_cast %parallel_loop3A_150 : i32 to index
      %parallel_loop3A_152 = tpu.vector_load %arg5[%parallel_loop3A_151] {strides = array<i32>} : memref<16384xf32, #tpu.memory_space<vmem>>, vector<16xf32>,
      tpu.vector_store_idx %arg7[%mul3A_49, %iota3A_50, %parallel_loop3A_142], %parallel_loop3A_146 : memref<1x32x512xf32, #tpu.memory_space<vmem>>[vector<16xi32>, vector<16xi32>, vector<16xi32>], vector<16xf32>,
      tpu.vector_store_idx %arg7[%mul3A_49, %add3A_53, %parallel_loop3A_142], %parallel_loop3A_152 : memref<1x32x512xf32, #tpu.memory_space<vmem>>[vector<16xi32>, vector<16xi32>, vector<16xi32>], vector<16xf32>,
    } {sc.loop_unroll_factor = 4 : i64, sc.parallel_access}
    %dma_start3A_57 = arith.constant 1 : i32
    %dma_start3A_58 = arith.constant 0 : i32
    %dma_start3A_59 = tpu.memref_slice %arg3[%dma_start3A_57, %dma_start3A_58, %mul3A_2] : memref<200x32x16384xf32, #tpu.memory_space<hbm>> -> memref<1x32x512xf32, #tpu.memory_space<hbm>>
    %dma_start3A_60 = arith.constant 1 : i32
    %dma_start3A_61 = arith.constant 0 : i32
    %dma_start3A_62 = tpu.memref_slice %arg3[%dma_start3A_60, %dma_start3A_61, %mul3A_2] : memref<200x32x16384xf32, #tpu.memory_space<hbm>> -> memref<1x32x512xf32, #tpu.memory_space<hbm>>
    tpu.enqueue_dma source(%arg7 : memref<1x32x512xf32, #tpu.memory_space<vmem>>) target(%dma_start3A_62 : memref<1x32x512xf32, #tpu.memory_space<hbm>>) target_semaphore(%arg11 : memref<!tpu.dma_semaphore, #tpu.memory_space<semaphore_mem>>)
    %scan3A = arith.constant 0 : i32
    %scan3A_63 = arith.constant 1 : i32
    %scan3A_64 = arith.constant 98 : i32
    %scan3A_65 = arith.addi %scan3A_63, %scan3A_64 : i32
    %scan3A_66 = arith.constant 1 : i32
    scf.for %scan3A_140 = %scan3A_63 to %scan3A_65 step %scan3A_66  : i32 {
      %mul3A_141 = arith.constant 2 : i32
      %mul3A_142 = arith.muli %mul3A_141, %scan3A_140 : i32
      %dma_wait3A_143 = arith.constant 0 : i32
      %dma_wait3A_144 = tpu.memref_slice %arg2[%dma_wait3A_143] : memref<104857600xf32, #tpu.memory_space<hbm>> -> memref<16384xf32, #tpu.memory_space<hbm>>
      %dma_wait3A_145 = arith.constant 0 : i32
      %dma_wait3A_146 = tpu.memref_slice %arg2[%dma_wait3A_145] : memref<104857600xf32, #tpu.memory_space<hbm>> -> memref<16384xf32, #tpu.memory_space<hbm>>
      tpu.wait_dma2 semaphore(%arg8 : memref<!tpu.dma_semaphore, #tpu.memory_space<semaphore_mem>>) src(%dma_wait3A_146 : memref<16384xf32, #tpu.memory_space<hbm>>) dst(%arg4 : memref<16384xf32, #tpu.memory_space<vmem>>)
      %add3A_147 = arith.constant 1 : i32
      %add3A_148 = arith.addi %mul3A_142, %add3A_147 : i32
      %mul3A_149 = arith.constant 16384 : i32
      %mul3A_150 = arith.muli %add3A_148, %mul3A_149 : i32
      %add3A_151 = arith.addi %mul3A_150, %mul3A_2 : i32
      %mul3A_152 = arith.constant 32 : i32
      %mul3A_153 = arith.muli %add3A_151, %mul3A_152 : i32
      %dma_start3A_154 = tpu.memref_slice %arg2[%mul3A_153] : memref<104857600xf32, #tpu.memory_space<hbm>> -> memref<16384xf32, #tpu.memory_space<hbm>>
      %dma_start3A_155 = tpu.memref_slice %arg2[%mul3A_153] : memref<104857600xf32, #tpu.memory_space<hbm>> -> memref<16384xf32, #tpu.memory_space<hbm>>
      tpu.enqueue_dma source(%dma_start3A_155 : memref<16384xf32, #tpu.memory_space<hbm>>) target(%arg5 : memref<16384xf32, #tpu.memory_space<vmem>>) target_semaphore(%arg9 : memref<!tpu.dma_semaphore, #tpu.memory_space<semaphore_mem>>)
      %dma_wait3A_156 = arith.constant 0 : i32
      %dma_wait3A_157 = arith.constant 0 : i32
      %dma_wait3A_158 = tpu.memref_slice %arg3[%dma_wait3A_156, %dma_wait3A_157, %mul3A_2] : memref<200x32x16384xf32, #tpu.memory_space<hbm>> -> memref<1x32x512xf32, #tpu.memory_space<hbm>>
      %dma_wait3A_159 = arith.constant 0 : i32
      %dma_wait3A_160 = arith.constant 0 : i32
      %dma_wait3A_161 = tpu.memref_slice %arg3[%dma_wait3A_159, %dma_wait3A_160, %mul3A_2] : memref<200x32x16384xf32, #tpu.memory_space<hbm>> -> memref<1x32x512xf32, #tpu.memory_space<hbm>>
      tpu.wait_dma2 semaphore(%arg10 : memref<!tpu.dma_semaphore, #tpu.memory_space<semaphore_mem>>) src(%arg6 : memref<1x32x512xf32, #tpu.memory_space<vmem>>) dst(%dma_wait3A_161 : memref<1x32x512xf32, #tpu.memory_space<hbm>>)
      %iota3A_162 = tpu.iota {dimensions = array<i32: 0>} : vector<16xi32>
      %mul3A_163 = arith.constant 0 : i32
      %mul3A_164 = vector.broadcast %mul3A_163 : i32 to vector<16xi32>
      %mul3A_165 = arith.muli %iota3A_162, %mul3A_164 : vector<16xi32>
      %iota3A_166 = tpu.iota {dimensions = array<i32: 0>} : vector<16xi32>
      %add3A_167 = arith.constant 16 : i32
      %add3A_168 = vector.broadcast %add3A_167 : i32 to vector<16xi32>
      %add3A_169 = arith.addi %iota3A_166, %add3A_168 : vector<16xi32>
      %parallel_loop3A_170 = arith.constant 0 : i32
      %parallel_loop3A_171 = arith.constant 512 : i32
      %parallel_loop3A_172 = arith.constant 1 : i32
      scf.for %parallel_loop3A_215 = %parallel_loop3A_170 to %parallel_loop3A_171 step %parallel_loop3A_172  : i32 {
        %parallel_loop3A_216 = vector.broadcast %parallel_loop3A_215 : i32 to vector<16xi32>
        %parallel_loop3A_217 = arith.addi %mul3A_165, %parallel_loop3A_216 : vector<16xi32>
        %parallel_loop3A_218 = arith.constant 32 : i32
        %parallel_loop3A_219 = arith.muli %parallel_loop3A_215, %parallel_loop3A_218 : i32
        %parallel_loop3A_220 = arith.index_cast %parallel_loop3A_219 : i32 to index
        %parallel_loop3A_221 = tpu.vector_load %arg4[%parallel_loop3A_220] {strides = array<i32>} : memref<16384xf32, #tpu.memory_space<vmem>>, vector<16xf32>,
        %parallel_loop3A_222 = arith.constant 32 : i32
        %parallel_loop3A_223 = arith.muli %parallel_loop3A_215, %parallel_loop3A_222 : i32
        %parallel_loop3A_224 = arith.constant 16 : i32
        %parallel_loop3A_225 = arith.addi %parallel_loop3A_223, %parallel_loop3A_224 : i32
        %parallel_loop3A_226 = arith.index_cast %parallel_loop3A_225 : i32 to index
        %parallel_loop3A_227 = tpu.vector_load %arg4[%parallel_loop3A_226] {strides = array<i32>} : memref<16384xf32, #tpu.memory_space<vmem>>, vector<16xf32>,
        tpu.vector_store_idx %arg6[%mul3A_165, %iota3A_166, %parallel_loop3A_217], %parallel_loop3A_221 : memref<1x32x512xf32, #tpu.memory_space<vmem>>[vector<16xi32>, vector<16xi32>, vector<16xi32>], vector<16xf32>,
        tpu.vector_store_idx %arg6[%mul3A_165, %add3A_169, %parallel_loop3A_217], %parallel_loop3A_227 : memref<1x32x512xf32, #tpu.memory_space<vmem>>[vector<16xi32>, vector<16xi32>, vector<16xi32>], vector<16xf32>,
      } {sc.loop_unroll_factor = 4 : i64, sc.parallel_access}
      %dma_start3A_173 = arith.constant 0 : i32
      %dma_start3A_174 = tpu.memref_slice %arg3[%mul3A_142, %dma_start3A_173, %mul3A_2] : memref<200x32x16384xf32, #tpu.memory_space<hbm>> -> memref<1x32x512xf32, #tpu.memory_space<hbm>>
      %dma_start3A_175 = arith.constant 0 : i32
      %dma_start3A_176 = tpu.memref_slice %arg3[%mul3A_142, %dma_start3A_175, %mul3A_2] : memref<200x32x16384xf32, #tpu.memory_space<hbm>> -> memref<1x32x512xf32, #tpu.memory_space<hbm>>
      tpu.enqueue_dma source(%arg6 : memref<1x32x512xf32, #tpu.memory_space<vmem>>) target(%dma_start3A_176 : memref<1x32x512xf32, #tpu.memory_space<hbm>>) target_semaphore(%arg10 : memref<!tpu.dma_semaphore, #tpu.memory_space<semaphore_mem>>)
      %mul3A_177 = arith.constant 2 : i32
      %mul3A_178 = arith.muli %mul3A_177, %scan3A_140 : i32
      %add3A_179 = arith.constant 1 : i32
      %add3A_180 = arith.addi %mul3A_178, %add3A_179 : i32
      %dma_wait3A_181 = arith.constant 0 : i32
      %dma_wait3A_182 = tpu.memref_slice %arg2[%dma_wait3A_181] : memref<104857600xf32, #tpu.memory_space<hbm>> -> memref<16384xf32, #tpu.memory_space<hbm>>
      %dma_wait3A_183 = arith.constant 0 : i32
      %dma_wait3A_184 = tpu.memref_slice %arg2[%dma_wait3A_183] : memref<104857600xf32, #tpu.memory_space<hbm>> -> memref<16384xf32, #tpu.memory_space<hbm>>
      tpu.wait_dma2 semaphore(%arg9 : memref<!tpu.dma_semaphore, #tpu.memory_space<semaphore_mem>>) src(%dma_wait3A_184 : memref<16384xf32, #tpu.memory_space<hbm>>) dst(%arg5 : memref<16384xf32, #tpu.memory_space<vmem>>)
      %add3A_185 = arith.constant 1 : i32
      %add3A_186 = arith.addi %add3A_180, %add3A_185 : i32
      %mul3A_187 = arith.constant 16384 : i32
      %mul3A_188 = arith.muli %add3A_186, %mul3A_187 : i32
      %add3A_189 = arith.addi %mul3A_188, %mul3A_2 : i32
      %mul3A_190 = arith.constant 32 : i32
      %mul3A_191 = arith.muli %add3A_189, %mul3A_190 : i32
      %dma_start3A_192 = tpu.memref_slice %arg2[%mul3A_191] : memref<104857600xf32, #tpu.memory_space<hbm>> -> memref<16384xf32, #tpu.memory_space<hbm>>
      %dma_start3A_193 = tpu.memref_slice %arg2[%mul3A_191] : memref<104857600xf32, #tpu.memory_space<hbm>> -> memref<16384xf32, #tpu.memory_space<hbm>>
      tpu.enqueue_dma source(%dma_start3A_193 : memref<16384xf32, #tpu.memory_space<hbm>>) target(%arg4 : memref<16384xf32, #tpu.memory_space<vmem>>) target_semaphore(%arg8 : memref<!tpu.dma_semaphore, #tpu.memory_space<semaphore_mem>>)
      %dma_wait3A_194 = arith.constant 0 : i32
      %dma_wait3A_195 = arith.constant 0 : i32
      %dma_wait3A_196 = tpu.memref_slice %arg3[%dma_wait3A_194, %dma_wait3A_195, %mul3A_2] : memref<200x32x16384xf32, #tpu.memory_space<hbm>> -> memref<1x32x512xf32, #tpu.memory_space<hbm>>
      %dma_wait3A_197 = arith.constant 0 : i32
      %dma_wait3A_198 = arith.constant 0 : i32
      %dma_wait3A_199 = tpu.memref_slice %arg3[%dma_wait3A_197, %dma_wait3A_198, %mul3A_2] : memref<200x32x16384xf32, #tpu.memory_space<hbm>> -> memref<1x32x512xf32, #tpu.memory_space<hbm>>
      tpu.wait_dma2 semaphore(%arg11 : memref<!tpu.dma_semaphore, #tpu.memory_space<semaphore_mem>>) src(%arg7 : memref<1x32x512xf32, #tpu.memory_space<vmem>>) dst(%dma_wait3A_199 : memref<1x32x512xf32, #tpu.memory_space<hbm>>)
      %iota3A_200 = tpu.iota {dimensions = array<i32: 0>} : vector<16xi32>
      %mul3A_201 = arith.constant 0 : i32
      %mul3A_202 = vector.broadcast %mul3A_201 : i32 to vector<16xi32>
      %mul3A_203 = arith.muli %iota3A_200, %mul3A_202 : vector<16xi32>
      %iota3A_204 = tpu.iota {dimensions = array<i32: 0>} : vector<16xi32>
      %add3A_205 = arith.constant 16 : i32
      %add3A_206 = vector.broadcast %add3A_205 : i32 to vector<16xi32>
      %add3A_207 = arith.addi %iota3A_204, %add3A_206 : vector<16xi32>
      %parallel_loop3A_208 = arith.constant 0 : i32
      %parallel_loop3A_209 = arith.constant 512 : i32
      %parallel_loop3A_210 = arith.constant 1 : i32
      scf.for %parallel_loop3A_215 = %parallel_loop3A_208 to %parallel_loop3A_209 step %parallel_loop3A_210  : i32 {
        %parallel_loop3A_216 = vector.broadcast %parallel_loop3A_215 : i32 to vector<16xi32>
        %parallel_loop3A_217 = arith.addi %mul3A_203, %parallel_loop3A_216 : vector<16xi32>
        %parallel_loop3A_218 = arith.constant 32 : i32
        %parallel_loop3A_219 = arith.muli %parallel_loop3A_215, %parallel_loop3A_218 : i32
        %parallel_loop3A_220 = arith.index_cast %parallel_loop3A_219 : i32 to index
        %parallel_loop3A_221 = tpu.vector_load %arg5[%parallel_loop3A_220] {strides = array<i32>} : memref<16384xf32, #tpu.memory_space<vmem>>, vector<16xf32>,
        %parallel_loop3A_222 = arith.constant 32 : i32
        %parallel_loop3A_223 = arith.muli %parallel_loop3A_215, %parallel_loop3A_222 : i32
        %parallel_loop3A_224 = arith.constant 16 : i32
        %parallel_loop3A_225 = arith.addi %parallel_loop3A_223, %parallel_loop3A_224 : i32
        %parallel_loop3A_226 = arith.index_cast %parallel_loop3A_225 : i32 to index
        %parallel_loop3A_227 = tpu.vector_load %arg5[%parallel_loop3A_226] {strides = array<i32>} : memref<16384xf32, #tpu.memory_space<vmem>>, vector<16xf32>,
        tpu.vector_store_idx %arg7[%mul3A_203, %iota3A_204, %parallel_loop3A_217], %parallel_loop3A_221 : memref<1x32x512xf32, #tpu.memory_space<vmem>>[vector<16xi32>, vector<16xi32>, vector<16xi32>], vector<16xf32>,
        tpu.vector_store_idx %arg7[%mul3A_203, %add3A_207, %parallel_loop3A_217], %parallel_loop3A_227 : memref<1x32x512xf32, #tpu.memory_space<vmem>>[vector<16xi32>, vector<16xi32>, vector<16xi32>], vector<16xf32>,
      } {sc.loop_unroll_factor = 4 : i64, sc.parallel_access}
      %dma_start3A_211 = arith.constant 0 : i32
      %dma_start3A_212 = tpu.memref_slice %arg3[%add3A_180, %dma_start3A_211, %mul3A_2] : memref<200x32x16384xf32, #tpu.memory_space<hbm>> -> memref<1x32x512xf32, #tpu.memory_space<hbm>>
      %dma_start3A_213 = arith.constant 0 : i32
      %dma_start3A_214 = tpu.memref_slice %arg3[%add3A_180, %dma_start3A_213, %mul3A_2] : memref<200x32x16384xf32, #tpu.memory_space<hbm>> -> memref<1x32x512xf32, #tpu.memory_space<hbm>>
      tpu.enqueue_dma source(%arg7 : memref<1x32x512xf32, #tpu.memory_space<vmem>>) target(%dma_start3A_214 : memref<1x32x512xf32, #tpu.memory_space<hbm>>) target_semaphore(%arg11 : memref<!tpu.dma_semaphore, #tpu.memory_space<semaphore_mem>>)
    }
    %scan3A_67 = arith.constant 98 : i32
    %dma_wait3A_68 = arith.constant 0 : i32
    %dma_wait3A_69 = tpu.memref_slice %arg2[%dma_wait3A_68] : memref<104857600xf32, #tpu.memory_space<hbm>> -> memref<16384xf32, #tpu.memory_space<hbm>>
    %dma_wait3A_70 = arith.constant 0 : i32
    %dma_wait3A_71 = tpu.memref_slice %arg2[%dma_wait3A_70] : memref<104857600xf32, #tpu.memory_space<hbm>> -> memref<16384xf32, #tpu.memory_space<hbm>>
    tpu.wait_dma2 semaphore(%arg8 : memref<!tpu.dma_semaphore, #tpu.memory_space<semaphore_mem>>) src(%dma_wait3A_71 : memref<16384xf32, #tpu.memory_space<hbm>>) dst(%arg4 : memref<16384xf32, #tpu.memory_space<vmem>>)
    %add3A_72 = arith.constant 3260416 : i32
    %add3A_73 = arith.addi %add3A_72, %mul3A_2 : i32
    %mul3A_74 = arith.constant 32 : i32
    %mul3A_75 = arith.muli %add3A_73, %mul3A_74 : i32
    %dma_start3A_76 = tpu.memref_slice %arg2[%mul3A_75] : memref<104857600xf32, #tpu.memory_space<hbm>> -> memref<16384xf32, #tpu.memory_space<hbm>>
    %dma_start3A_77 = tpu.memref_slice %arg2[%mul3A_75] : memref<104857600xf32, #tpu.memory_space<hbm>> -> memref<16384xf32, #tpu.memory_space<hbm>>
    tpu.enqueue_dma source(%dma_start3A_77 : memref<16384xf32, #tpu.memory_space<hbm>>) target(%arg5 : memref<16384xf32, #tpu.memory_space<vmem>>) target_semaphore(%arg9 : memref<!tpu.dma_semaphore, #tpu.memory_space<semaphore_mem>>)
    %dma_wait3A_78 = arith.constant 0 : i32
    %dma_wait3A_79 = arith.constant 0 : i32
    %dma_wait3A_80 = tpu.memref_slice %arg3[%dma_wait3A_78, %dma_wait3A_79, %mul3A_2] : memref<200x32x16384xf32, #tpu.memory_space<hbm>> -> memref<1x32x512xf32, #tpu.memory_space<hbm>>
    %dma_wait3A_81 = arith.constant 0 : i32
    %dma_wait3A_82 = arith.constant 0 : i32
    %dma_wait3A_83 = tpu.memref_slice %arg3[%dma_wait3A_81, %dma_wait3A_82, %mul3A_2] : memref<200x32x16384xf32, #tpu.memory_space<hbm>> -> memref<1x32x512xf32, #tpu.memory_space<hbm>>
    tpu.wait_dma2 semaphore(%arg10 : memref<!tpu.dma_semaphore, #tpu.memory_space<semaphore_mem>>) src(%arg6 : memref<1x32x512xf32, #tpu.memory_space<vmem>>) dst(%dma_wait3A_83 : memref<1x32x512xf32, #tpu.memory_space<hbm>>)
    %iota3A_84 = tpu.iota {dimensions = array<i32: 0>} : vector<16xi32>
    %mul3A_85 = arith.constant 0 : i32
    %mul3A_86 = vector.broadcast %mul3A_85 : i32 to vector<16xi32>
    %mul3A_87 = arith.muli %iota3A_84, %mul3A_86 : vector<16xi32>
    %iota3A_88 = tpu.iota {dimensions = array<i32: 0>} : vector<16xi32>
    %add3A_89 = arith.constant 16 : i32
    %add3A_90 = vector.broadcast %add3A_89 : i32 to vector<16xi32>
    %add3A_91 = arith.addi %iota3A_88, %add3A_90 : vector<16xi32>
    %parallel_loop3A_92 = arith.constant 0 : i32
    %parallel_loop3A_93 = arith.constant 512 : i32
    %parallel_loop3A_94 = arith.constant 1 : i32
    scf.for %parallel_loop3A_140 = %parallel_loop3A_92 to %parallel_loop3A_93 step %parallel_loop3A_94  : i32 {
      %parallel_loop3A_141 = vector.broadcast %parallel_loop3A_140 : i32 to vector<16xi32>
      %parallel_loop3A_142 = arith.addi %mul3A_87, %parallel_loop3A_141 : vector<16xi32>
      %parallel_loop3A_143 = arith.constant 32 : i32
      %parallel_loop3A_144 = arith.muli %parallel_loop3A_140, %parallel_loop3A_143 : i32
      %parallel_loop3A_145 = arith.index_cast %parallel_loop3A_144 : i32 to index
      %parallel_loop3A_146 = tpu.vector_load %arg4[%parallel_loop3A_145] {strides = array<i32>} : memref<16384xf32, #tpu.memory_space<vmem>>, vector<16xf32>,
      %parallel_loop3A_147 = arith.constant 32 : i32
      %parallel_loop3A_148 = arith.muli %parallel_loop3A_140, %parallel_loop3A_147 : i32
      %parallel_loop3A_149 = arith.constant 16 : i32
      %parallel_loop3A_150 = arith.addi %parallel_loop3A_148, %parallel_loop3A_149 : i32
      %parallel_loop3A_151 = arith.index_cast %parallel_loop3A_150 : i32 to index
      %parallel_loop3A_152 = tpu.vector_load %arg4[%parallel_loop3A_151] {strides = array<i32>} : memref<16384xf32, #tpu.memory_space<vmem>>, vector<16xf32>,
      tpu.vector_store_idx %arg6[%mul3A_87, %iota3A_88, %parallel_loop3A_142], %parallel_loop3A_146 : memref<1x32x512xf32, #tpu.memory_space<vmem>>[vector<16xi32>, vector<16xi32>, vector<16xi32>], vector<16xf32>,
      tpu.vector_store_idx %arg6[%mul3A_87, %add3A_91, %parallel_loop3A_142], %parallel_loop3A_152 : memref<1x32x512xf32, #tpu.memory_space<vmem>>[vector<16xi32>, vector<16xi32>, vector<16xi32>], vector<16xf32>,
    } {sc.loop_unroll_factor = 4 : i64, sc.parallel_access}
    %dma_start3A_95 = arith.constant 198 : i32
    %dma_start3A_96 = arith.constant 0 : i32
    %dma_start3A_97 = tpu.memref_slice %arg3[%dma_start3A_95, %dma_start3A_96, %mul3A_2] : memref<200x32x16384xf32, #tpu.memory_space<hbm>> -> memref<1x32x512xf32, #tpu.memory_space<hbm>>
    %dma_start3A_98 = arith.constant 198 : i32
    %dma_start3A_99 = arith.constant 0 : i32
    %dma_start3A_100 = tpu.memref_slice %arg3[%dma_start3A_98, %dma_start3A_99, %mul3A_2] : memref<200x32x16384xf32, #tpu.memory_space<hbm>> -> memref<1x32x512xf32, #tpu.memory_space<hbm>>
    tpu.enqueue_dma source(%arg6 : memref<1x32x512xf32, #tpu.memory_space<vmem>>) target(%dma_start3A_100 : memref<1x32x512xf32, #tpu.memory_space<hbm>>) target_semaphore(%arg10 : memref<!tpu.dma_semaphore, #tpu.memory_space<semaphore_mem>>)
    %dma_wait3A_101 = arith.constant 0 : i32
    %dma_wait3A_102 = tpu.memref_slice %arg2[%dma_wait3A_101] : memref<104857600xf32, #tpu.memory_space<hbm>> -> memref<16384xf32, #tpu.memory_space<hbm>>
    %dma_wait3A_103 = arith.constant 0 : i32
    %dma_wait3A_104 = tpu.memref_slice %arg2[%dma_wait3A_103] : memref<104857600xf32, #tpu.memory_space<hbm>> -> memref<16384xf32, #tpu.memory_space<hbm>>
    tpu.wait_dma2 semaphore(%arg9 : memref<!tpu.dma_semaphore, #tpu.memory_space<semaphore_mem>>) src(%dma_wait3A_104 : memref<16384xf32, #tpu.memory_space<hbm>>) dst(%arg5 : memref<16384xf32, #tpu.memory_space<vmem>>)
    %dma_wait3A_105 = arith.constant 0 : i32
    %dma_wait3A_106 = arith.constant 0 : i32
    %dma_wait3A_107 = tpu.memref_slice %arg3[%dma_wait3A_105, %dma_wait3A_106, %mul3A_2] : memref<200x32x16384xf32, #tpu.memory_space<hbm>> -> memref<1x32x512xf32, #tpu.memory_space<hbm>>
    %dma_wait3A_108 = arith.constant 0 : i32
    %dma_wait3A_109 = arith.constant 0 : i32
    %dma_wait3A_110 = tpu.memref_slice %arg3[%dma_wait3A_108, %dma_wait3A_109, %mul3A_2] : memref<200x32x16384xf32, #tpu.memory_space<hbm>> -> memref<1x32x512xf32, #tpu.memory_space<hbm>>
    tpu.wait_dma2 semaphore(%arg11 : memref<!tpu.dma_semaphore, #tpu.memory_space<semaphore_mem>>) src(%arg7 : memref<1x32x512xf32, #tpu.memory_space<vmem>>) dst(%dma_wait3A_110 : memref<1x32x512xf32, #tpu.memory_space<hbm>>)
    %iota3A_111 = tpu.iota {dimensions = array<i32: 0>} : vector<16xi32>
    %mul3A_112 = arith.constant 0 : i32
    %mul3A_113 = vector.broadcast %mul3A_112 : i32 to vector<16xi32>
    %mul3A_114 = arith.muli %iota3A_111, %mul3A_113 : vector<16xi32>
    %iota3A_115 = tpu.iota {dimensions = array<i32: 0>} : vector<16xi32>
    %add3A_116 = arith.constant 16 : i32
    %add3A_117 = vector.broadcast %add3A_116 : i32 to vector<16xi32>
    %add3A_118 = arith.addi %iota3A_115, %add3A_117 : vector<16xi32>
    %parallel_loop3A_119 = arith.constant 0 : i32
    %parallel_loop3A_120 = arith.constant 512 : i32
    %parallel_loop3A_121 = arith.constant 1 : i32
    scf.for %parallel_loop3A_140 = %parallel_loop3A_119 to %parallel_loop3A_120 step %parallel_loop3A_121  : i32 {
      %parallel_loop3A_141 = vector.broadcast %parallel_loop3A_140 : i32 to vector<16xi32>
      %parallel_loop3A_142 = arith.addi %mul3A_114, %parallel_loop3A_141 : vector<16xi32>
      %parallel_loop3A_143 = arith.constant 32 : i32
      %parallel_loop3A_144 = arith.muli %parallel_loop3A_140, %parallel_loop3A_143 : i32
      %parallel_loop3A_145 = arith.index_cast %parallel_loop3A_144 : i32 to index
      %parallel_loop3A_146 = tpu.vector_load %arg5[%parallel_loop3A_145] {strides = array<i32>} : memref<16384xf32, #tpu.memory_space<vmem>>, vector<16xf32>,
      %parallel_loop3A_147 = arith.constant 32 : i32
      %parallel_loop3A_148 = arith.muli %parallel_loop3A_140, %parallel_loop3A_147 : i32
      %parallel_loop3A_149 = arith.constant 16 : i32
      %parallel_loop3A_150 = arith.addi %parallel_loop3A_148, %parallel_loop3A_149 : i32
      %parallel_loop3A_151 = arith.index_cast %parallel_loop3A_150 : i32 to index
      %parallel_loop3A_152 = tpu.vector_load %arg5[%parallel_loop3A_151] {strides = array<i32>} : memref<16384xf32, #tpu.memory_space<vmem>>, vector<16xf32>,
      tpu.vector_store_idx %arg7[%mul3A_114, %iota3A_115, %parallel_loop3A_142], %parallel_loop3A_146 : memref<1x32x512xf32, #tpu.memory_space<vmem>>[vector<16xi32>, vector<16xi32>, vector<16xi32>], vector<16xf32>,
      tpu.vector_store_idx %arg7[%mul3A_114, %add3A_118, %parallel_loop3A_142], %parallel_loop3A_152 : memref<1x32x512xf32, #tpu.memory_space<vmem>>[vector<16xi32>, vector<16xi32>, vector<16xi32>], vector<16xf32>,
    } {sc.loop_unroll_factor = 4 : i64, sc.parallel_access}
    %dma_start3A_122 = arith.constant 199 : i32
    %dma_start3A_123 = arith.constant 0 : i32
    %dma_start3A_124 = tpu.memref_slice %arg3[%dma_start3A_122, %dma_start3A_123, %mul3A_2] : memref<200x32x16384xf32, #tpu.memory_space<hbm>> -> memref<1x32x512xf32, #tpu.memory_space<hbm>>
    %dma_start3A_125 = arith.constant 199 : i32
    %dma_start3A_126 = arith.constant 0 : i32
    %dma_start3A_127 = tpu.memref_slice %arg3[%dma_start3A_125, %dma_start3A_126, %mul3A_2] : memref<200x32x16384xf32, #tpu.memory_space<hbm>> -> memref<1x32x512xf32, #tpu.memory_space<hbm>>
    tpu.enqueue_dma source(%arg7 : memref<1x32x512xf32, #tpu.memory_space<vmem>>) target(%dma_start3A_127 : memref<1x32x512xf32, #tpu.memory_space<hbm>>) target_semaphore(%arg11 : memref<!tpu.dma_semaphore, #tpu.memory_space<semaphore_mem>>)
    %dma_wait3A_128 = arith.constant 0 : i32
    %dma_wait3A_129 = arith.constant 0 : i32
    %dma_wait3A_130 = tpu.memref_slice %arg3[%dma_wait3A_128, %dma_wait3A_129, %mul3A_2] : memref<200x32x16384xf32, #tpu.memory_space<hbm>> -> memref<1x32x512xf32, #tpu.memory_space<hbm>>
    %dma_wait3A_131 = arith.constant 0 : i32
    %dma_wait3A_132 = arith.constant 0 : i32
    %dma_wait3A_133 = tpu.memref_slice %arg3[%dma_wait3A_131, %dma_wait3A_132, %mul3A_2] : memref<200x32x16384xf32, #tpu.memory_space<hbm>> -> memref<1x32x512xf32, #tpu.memory_space<hbm>>
    tpu.wait_dma2 semaphore(%arg10 : memref<!tpu.dma_semaphore, #tpu.memory_space<semaphore_mem>>) src(%arg6 : memref<1x32x512xf32, #tpu.memory_space<vmem>>) dst(%dma_wait3A_133 : memref<1x32x512xf32, #tpu.memory_space<hbm>>)
    %dma_wait3A_134 = arith.constant 0 : i32
    %dma_wait3A_135 = arith.constant 0 : i32
    %dma_wait3A_136 = tpu.memref_slice %arg3[%dma_wait3A_134, %dma_wait3A_135, %mul3A_2] : memref<200x32x16384xf32, #tpu.memory_space<hbm>> -> memref<1x32x512xf32, #tpu.memory_space<hbm>>
    %dma_wait3A_137 = arith.constant 0 : i32
    %dma_wait3A_138 = arith.constant 0 : i32
    %dma_wait3A_139 = tpu.memref_slice %arg3[%dma_wait3A_137, %dma_wait3A_138, %mul3A_2] : memref<200x32x16384xf32, #tpu.memory_space<hbm>> -> memref<1x32x512xf32, #tpu.memory_space<hbm>>
    tpu.wait_dma2 semaphore(%arg11 : memref<!tpu.dma_semaphore, #tpu.memory_space<semaphore_mem>>) src(%arg7 : memref<1x32x512xf32, #tpu.memory_space<vmem>>) dst(%dma_wait3A_139 : memref<1x32x512xf32, #tpu.memory_space<hbm>>)
    return
  }
}

</mosaic_0001>

<sc_bundles>
// kernel: kernel.4.cloned.1.call-start
scs
__scs_entry_jumppad:
0x0: {  	(pc) =	sbr.rel $0x88, $3  }
0x1: {  	(tag) =	ssettag $0x0;
	lr =	simm.s32 $0x1  }
0x2: {  	[smem:$0x3F9F] =	sst lr;
	_ =	strace $0xD0000000  }
0x3: {  	_ = 	snop  }
0x4: {  	_ = 	snop  }
0x5: {  	_ = 	snop  }
0x6: {  	_ = 	snop  }
0x7: {  	_ = 	snop  }
__scs_overlays_trampoline_lowered:
0x8: {  	[smem:$0x3FAE] =	sst s0  }
0x9: {  	[smem:$0x3FAF] =	sst s1  }
0xa: {  	[smem:$0x3FB0] =	sst s2  }
0xb: {  	[smem:$0x3FB1] =	sst s3  }
0xc: {  	[smem:$0x3FB2] =	sst s4  }
0xd: {  	[smem:$0x3FB3] =	sst s5  }
0xe: {  	[smem:$0x3FB4] =	sst s6  }
0xf: {  	[smem:$0x3FB5] =	sst s7  }
0x10: {  	[smem:$0x3FB6] =	sst s8  }
0x11: {  	[smem:$0x3FB7] =	sst s9;
	s0 =	simm.s32 @!p0 $0x0  }
0x12: {  	s1 =	sld [smem:$0x3F9D];
	s0 =	simm.s32 @p0 $0x1  }
0x13: {  	[smem:$0x3FB8] =	sst s0;
	s0 =	simm.s32 @!p1 $0x0  }
0x14: {  	s2 =	sld [smem:$0x3F9C];
	s0 =	simm.s32 @p1 $0x1  }
0x15: {  	[smem:$0x3FB9] =	sst s0;
	s0 =	simm.s32 @!p2 $0x0  }
0x16: {  	s3 =	sld [smem:$0x3FDB];
	s0 =	simm.s32 @p2 $0x1  }
0x17: {  	s4 =	simm.s32 $0x1BF5;
	[smem:$0x3FBB] =	sst s0  }
0x18: {  	s0 =	sld [smem:$0x3F9E];
	_ =	swait.ge [sflag:s4], $0x0  }
0x19: {  	s7 =	sld [smem:$0x3F9F]  }
0x1a: {  	s8 =	sadd.s32 $0xFFFFE003, lr  }
0x1b: {  	s9 =	sadd.s32 $0xFFFFFEF7, lr;
	s5 =	simm.s32 $0xFFFFFFFF;
	p2 =	slt.u32 s8, $0xFFFFF086  }
0x1c: {  	p1 =	slt.u32 s9, $0xF7A;
	s5 =	simm.s32 @!p2 $0x0  }
0x1d: {  	s5 =	simm.s32 @p1 $0x1;
	p0 =	seq.s32 s7, s2  }
0x1e: {  	s7 =	smul.u32 @!p0 $0xF7A, s2;
	p2 =	seq.s32 @!p0 s5, $0x0  }
0x1f: {  	s9 =	smul.u32 $0xF7A, s1;
	s8 =	simm.s32 @!p0 $0x1BF5;
	p2 =	por !p2, p0  }
0x20: {  	[sflag:s8] =	ssyncset.s32 @!p0 $0xFFFFF086;
	s6 =	sadd.s32 @!p0 s3, s7;
	s7 =	simm.s32 @!p0 $0x108  }
0x21: {  	s3 =	sadd.s32 s3, s9;
	s6 =	sadd.s32 @!p0 $0x88, s6;
	s7 =	simm.s32 @p2 $0x1082  }
0x22: {  	[simem:s7], [sflag:s8] =	dma.local @!p0 [hbm:s6], $0xF7A  }
0x23: {  	s9 =	sor.u32 $0xD0000000, s2;
	s6 =	simm.s32 $0x108;
	_ =	swait.ge @!p0 [sflag:s8], $0x0  }
0x24: {  	s3 =	sadd.s32 $0x88, s3;
	s6 =	simm.s32 @!p1 $0x1082;
	[sflag:s4] =	ssyncset.s32 $0xFFFFF086  }
0x25: {  	[simem:s6], [sflag:s4] =	dma.local [hbm:s3], $0xF7A  }
0x26: {  	[smem:$0x3F9F] =	sst s1;
	(tag) =	ssettag s2;
	_ =	strace s9  }
0x27: {  	s1 =	sld [smem:$0x3FAF]  }
0x28: {  	s2 =	sld [smem:$0x3FB0]  }
0x29: {  	s4 =	sld [smem:$0x3FB2]  }
0x2a: {  	p0 =	seq.s32 s5, $0x0;
	s5 =	sld [smem:$0x3FB3]  }
0x2b: {  	s6 =	sld [smem:$0x3FB4]  }
0x2c: {  	s7 =	sld [smem:$0x3FB5]  }
0x2d: {  	s3 =	simm.s32 $0x108;
	s8 =	sld [smem:$0x3FB6]  }
0x2e: {  	s3 =	simm.s32 @!p0 $0x1082;
	s9 =	sld [smem:$0x3FB7]  }
0x2f: {  	lr =	sadd.s32 s0, s3;
	s0 =	sld [smem:$0x3FAE]  }
0x30: {  	s3 =	sld [smem:$0x3FB1]  }
0x31: {  	[smem:$0x3FBA] =	sst s10  }
0x32: {  	s10 =	sld [smem:$0x3FB8];
	_ =	sdelay $0x3  }
0x33: {  	p0 =	seq.s32 s10, $0x1;
	s10 =	sld [smem:$0x3FBA];
	_ =	sdelay $0x3  }
0x34: {  	[smem:$0x3FBA] =	sst s10  }
0x35: {  	s10 =	sld [smem:$0x3FB9];
	_ =	sdelay $0x3  }
0x36: {  	p1 =	seq.s32 s10, $0x1;
	s10 =	sld [smem:$0x3FBA];
	_ =	sdelay $0x3  }
0x37: {  	[smem:$0x3FBA] =	sst s10  }
0x38: {  	s10 =	sld [smem:$0x3FBB]  }
0x39: {  	_ = 	snop;
	(pc) =	sbr.ind lr, $3  }
0x3a: {  	_ = 	snop  }
0x3b: {  	_ = 	snop  }
0x3c: {  	p2 =	seq.s32 s10, $0x1;
	s10 =	sld [smem:$0x3FBA]  }
0x3d: {  	_ =	shalt  }
0x3e: {  	_ =	shalt  }
0x3f: {  	_ =	shalt  }
0x40: {  	_ =	shalt  }
0x41: {  	_ =	shalt  }
0x42: {  	_ =	shalt  }
0x43: {  	_ =	shalt  }
0x44: {  	_ =	shalt  }
0x45: {  	_ =	shalt  }
0x46: {  	_ =	shalt  }
0x47: {  	_ =	shalt  }
0x48: {  	_ =	shalt  }
0x49: {  	_ =	shalt  }
0x4a: {  	_ =	shalt  }
0x4b: {  	_ =	shalt  }
0x4c: {  	_ =	shalt  }
0x4d: {  	_ =	shalt  }
0x4e: {  	_ =	shalt  }
0x4f: {  	_ =	shalt  }
0x50: {  	_ =	shalt  }
0x51: {  	_ =	shalt  }
0x52: {  	_ =	shalt  }
0x53: {  	_ =	shalt  }
0x54: {  	_ =	shalt  }
0x55: {  	_ =	shalt  }
0x56: {  	_ =	shalt  }
0x57: {  	_ =	shalt  }
0x58: {  	_ =	shalt  }
0x59: {  	_ =	shalt  }
0x5a: {  	_ =	shalt  }
0x5b: {  	_ =	shalt  }
0x5c: {  	_ =	shalt  }
0x5d: {  	_ =	shalt  }
0x5e: {  	_ =	shalt  }
0x5f: {  	_ =	shalt  }
0x60: {  	_ =	shalt  }
0x61: {  	_ =	shalt  }
0x62: {  	_ =	shalt  }
0x63: {  	_ =	shalt  }
0x64: {  	_ =	shalt  }
0x65: {  	_ =	shalt  }
0x66: {  	_ =	shalt  }
0x67: {  	_ =	shalt  }
0x68: {  	_ =	shalt  }
0x69: {  	_ =	shalt  }
0x6a: {  	_ =	shalt  }
0x6b: {  	_ =	shalt  }
0x6c: {  	_ =	shalt  }
0x6d: {  	_ =	shalt  }
0x6e: {  	_ =	shalt  }
0x6f: {  	_ =	shalt  }
0x70: {  	_ =	shalt  }
0x71: {  	_ =	shalt  }
0x72: {  	_ =	shalt  }
0x73: {  	_ =	shalt  }
0x74: {  	_ =	shalt  }
0x75: {  	_ =	shalt  }
0x76: {  	_ =	shalt  }
0x77: {  	_ =	shalt  }
0x78: {  	_ =	shalt  }
0x79: {  	_ =	shalt  }
0x7a: {  	_ =	shalt  }
0x7b: {  	_ =	shalt  }
0x7c: {  	_ =	shalt  }
0x7d: {  	_ =	shalt  }
0x7e: {  	_ =	shalt  }
0x7f: {  	_ =	shalt  }
0x80: {  	_ =	shalt  }
0x81: {  	_ =	shalt  }
0x82: {  	_ =	shalt  }
0x83: {  	_ =	shalt  }
0x84: {  	_ =	shalt  }
0x85: {  	_ =	shalt  }
0x86: {  	_ =	shalt  }
0x87: {  	_ =	shalt  }
.Lfunc_end0:
.L_simem_size_0:
called_computation_lowered:
.L_overlay_start_0:
0x88: {  	s2 =	sld [smem:$0x3FD9]  }
0x89: {  	s3 =	sld [smem:$0x3FFE];
	_ =	sdelay $0x1  }
0x8a: {  	s1 =	srdreg.scid  }
0x8b: {  	s0 =	sand.u32 $0x1, s1  }
0x8c: {  	s17 =	sshll.u32 s0, $0xA;
	s2 =	sadd.s32 s3, s2  }
0x8d: {  	s2 =	sadd.s32 s2, s17  }
0x8e: {  	[smem:$0x3FC6] =	sst s2  }
0x8f: {  	_ = 	snop  }
0x90: {  	s2 =	sld [smem:$0x3FD0];
	(tm) =	ssettm $0x1  }
0x91: {  	s18 =	sld [smem:$0x3FFB];
	_ =	sdelay $0x3  }
0x92: {  	_ =	strace s18  }
0x93: {  	s3 =	sld [smem:$0x3FFC];
	_ =	sdelay $0x3  }
0x94: {  	_ =	strace s3  }
0x95: {  	s3 =	sld [smem:$0x3FFD];
	_ =	sdelay $0x3  }
0x96: {  	_ =	strace s3  }
0x97: {  	_ =	strace $0x8FFFFFFF  }
0x98: {  	s19 =	sld [smem:$0x3FDB];
	_ =	sdelay $0x1  }
0x99: {  	s4 =	simm.s32 $_scs_section_size  }
0x9a: {  	s5 =	simm.s32 $_size__tile_overlayer_lowered;
	s6 =	simm.s32 $_tile_overlayer_lowered  }
0x9b: {  	s22 =	simm.s32 $0x1BFF;
	s21 =	sshll.u32 s6, $0x1;
	s3 =	sadd.s32 s4, s19  }
0x9c: {  	s7 =	simm.s32 $0x0;
	s20 =	sshll.u32 s5, $0x1;
	s5 =	sadd.s32 s21, s3  }
0x9d: {  	[timem:s7], [sflag:s22] =	dma.local [hbm:s5], s20  }
0x9e: {  	_ =	swait.ge [sflag:s22], s20  }
0x9f: {  	s4 =	ssub.s32 $0x0, s20;
	[sflag:s22] =	ssyncset.done $0x0  }
0xa0: {  	[sflag:s22] =	ssyncadd.s32 s4;
	_ =	sdelay $0x1  }
0xa1: {  	s23 =	simm.s32 $0x1B8B  }
0xa2: {  	_ =	swait.ge [sflag:s23], $0x1  }
0xa3: {  	[sflag:s23] =	ssyncset.done $0x0  }
0xa4: {  	s25 =	simm.s32 $0x1B8E;
	s24 =	sld [smem:$0x3FFE];
	[sflag:s23] =	ssyncadd.s32 $0xFFFFFFFF  }
0xa5: {  	s26 =	simm.s32 $execute0_lowered;
	[smem:$0x3FD2] =	sst s25  }
0xa6: {  	s5 =	sshll.u32 s26, $0x1;
	_ =	strace $0x80000046;
	[dreg:$0x1] =	wrdreg $0xFFFFFFFF  }
0xa7: {  	s28 =	simm.s32 $_size_execute0_lowered;
	s3 =	sadd.s32 s3, s5;
	[dreg:$0x0] =	wrdreg $0x0  }
0xa8: {  	s5 =	sshll.u32 s28, $0x1;
	[dreg:$0x2] =	wrdreg s3  }
0xa9: {  	[dreg:$0x3] =	wrdreg s5  }
0xaa: {  	[dreg:$0x4] =	wrdreg $0xC0  }
0xab: {  	_ =	task [dreg:s7], $0x5FFFF  }
0xac: {  	[dreg:$0x1] =	wrdreg $0xFFFFFFFF  }
0xad: {  	[dreg:$0x0] =	wrdreg $0x60  }
0xae: {  	[dreg:$0x2] =	wrdreg s2  }
0xaf: {  	[dreg:$0x3] =	wrdreg s24  }
0xb0: {  	[dreg:$0x4] =	wrdreg $0x9  }
0xb1: {  	_ =	task.clear_ibuf [dreg:s7], $0x5FFFF;
	_ =	strace $0x90000046  }
0xb2: {  	s29 =	simm.s32 $0x9;
	_ =	strace $0x80000048  }
0xb3: {  	_ =	swait.ge [sflag:s29], $0x1  }
0xb4: {  	[sflag:s29] =	ssyncadd.s32 $0xFFFFFFFF  }
0xb5: {  	_ =	strace $0x90000048  }
0xb6: {  	_ =	sfence  }
0xb7: {  	s30 =	sld [smem:$0x0];
	_ =	sdelay $0x2  }
0xb8: {  	s31 =	sshll.u32 s1, $0xD;
	s1 =	sshrl.u32 s1, $0x2  }
0xb9: {  	s3 =	sand.u32 $0x4000, s31;
	s1 =	sadd.s32 s1, s30  }
0xba: {  	s0 =	sor.u32 s3, s0;
	s1 =	sshll.u32 s1, $0x11  }
0xbb: {  	s0 =	sor.u32 s1, s0  }
0xbc: {  	s0 =	sadd.s32 $0x8F2B, s0  }
0xbd: {  	[sflag:s0] =	ssyncadd.remote.s32 $0x1  }
0xbe: {  	_ =	sfence.sel $0xFFFF  }
0xbf: {  	[dreg:$0x0] =	wrdreg $0xFFFFFFFF;
	(pc) =	sbr.abs _section_cstart, $3  }
0xc0: {  	[dreg:$0x1] =	wrdreg $0xFFFFFFFF  }
0xc1: {  	_ =	task.clear_ibuf [dreg:s7], $0x2FFFF;
	_ =	strace $0x9FFFFFFF  }
0xc2: {  	(tm) =	ssettm $0x7FFFFFFF  }
0xc3: {  	_ =	shalt  }
tec
execute0_lowered:
.L_overlay_start_1:
0x0: {  	(tag) =	ssettag $0x1  }
0x1: {  	s2 =	rddreg [dreg:$0x0]  }
0x2: {  	s0 =	rddreg [dreg:$0x1];
	s1 =	srdreg.scid  }
0x3: {  	s13 =	stileid.u32;
	s3 =	simm.s32 $0x0;
	s28 =	simm.s32 $0x960  }
0x4: {  	s29 =	simm.s32 $0x1;
	s30 =	simm.s32 $0xC80;
	s31 =	simm.s32 $0x2  }
0x5: {  	s1 =	sand.u32 $0x1, s1;
	s4 =	sshll.u32 s13, $0x1;
	s26 =	smul.u32 $0x32000, s13  }
0x6: {  	s4 =	sor.u32 s1, s4;
	s7 =	ssub.s32 $0x2, s1;
	s1 =	smul.u32 $0x19000, s1  }
0x7: {  	[smem:$0x7FF] =	sst s3;
	s6 =	sadd.s32 $0x800, s0;
	s5 =	smul.u32 $0x19000, s4  }
0x8: {  	s0 =	sadd.s32 $0x64800, s0;
	s8 =	sshrl.u32 s7, $0x1;
	s11 =	smul.u32 $0x64000, s4  }
0x9: {  	_ =	strace $0x80000047;
	s4 =	smul.u32 $0x320000, s4;
	s7 =	ssub.s32 s7, s8  }
0xa: {  	s1 =	sadd.s32 s1, s26;
	s9 =	sshrl.u32 s5, $0x3;
	s10 =	sor.u32 $0x320, s5  }
0xb: {  	s19 =	sor.u32 $0x640, s5;
	s5 =	sor.u32 $0x960, s5;
	s22 =	sadd.s32 s0, s11  }
0xc: {  	s14 =	sadd.s32 s6, s9;
	s18 =	sshrl.u32 s10, $0x3;
	[dreg:$0xb] =	wrdreg s22  }
0xd: {  	s12 =	sshrl.u32 s5, $0x3;
	s8 =	sadd.s32 s6, s18;
	[dreg:$0x7] =	wrdreg s14  }
0xe: {  	s4 =	sshrl.u32 s4, $0x3;
	s21 =	sadd.s32 s6, s12;
	[dreg:$0x8] =	wrdreg s8  }
0xf: {  	s15 =	sadd.s32 $0x2260, s1;
	s23 =	sadd.s32 $0x190, s14;
	[dreg:$0xa] =	wrdreg s21  }
0x10: {  	s20 =	sshrl.u32 s19, $0x3;
	s11 =	sadd.s32 $0x1F4, s14;
	[dreg:$0xc] =	wrdreg s23  }
0x11: {  	s5 =	sshll.u32 s5, $0x2;
	s12 =	sadd.s32 $0x258, s14;
	[dreg:$0xe] =	wrdreg s11  }
0x12: {  	s24 =	sshll.u32 s10, $0x2;
	s5 =	sadd.s32 s0, s5;
	[dreg:$0x10] =	wrdreg s12  }
0x13: {  	s4 =	sadd.s32 s0, s4;
	s13 =	sadd.s32 $0x2BC, s14;
	[dreg:$0x11] =	wrdreg s5  }
0x14: {  	s25 =	sshll.u32 s19, $0x2;
	s14 =	sadd.s32 $0x60E00, s4;
	[dreg:$0x12] =	wrdreg s13  }
0x15: {  	s9 =	simm.s32 $0x6;
	s16 =	sadd.s32 $0x61A80, s4;
	[dreg:$0x13] =	wrdreg s14  }
0x16: {  	s10 =	simm.s32 $0x9;
	s17 =	sadd.s32 $0x62700, s4;
	[dreg:$0x14] =	wrdreg s16  }
0x17: {  	s4 =	sadd.s32 $0x63380, s4;
	s18 =	smax.u32 s7, $0x1;
	[dreg:$0x15] =	wrdreg s17  }
0x18: {  	s7 =	simm.s32 $0x4;
	s8 =	sadd.s32 s6, s20;
	[dreg:$0x16] =	wrdreg s4  }
0x19: {  	s5 =	sshrl.u32 s15, $0x3;
	[dreg:$0x17] =	wrdreg s18;
	s20 =	sshll.u32 s1, $0x2  }
0x1a: {  	s21 =	sadd.s32 $0x1F40, s1;
	s23 =	sadd.s32 $0x1C20, s1;
	s1 =	sadd.s32 $0x1900, s1  }
0x1b: {  	s11 =	simm.s32 $0x7;
	s12 =	simm.s32 $0xA;
	s13 =	simm.s32 $0x8  }
0x1c: {  	s14 =	simm.s32 $0xB;
	s15 =	simm.s32 $0xC;
	s16 =	simm.s32 $0x0  }
0x1d: {  	[dreg:$0x9] =	wrdreg s8;
	s8 =	sadd.s32 s0, s24;
	s19 =	sadd.s32 s5, s6  }
0x1e: {  	s22 =	sshrl.u32 s21, $0x3;
	s5 =	sshrl.u32 s23, $0x3;
	[dreg:$0xd] =	wrdreg s8  }
0x1f: {  	s1 =	sshrl.u32 s1, $0x3;
	s8 =	sadd.s32 s0, s25;
	[dreg:$0x3] =	wrdreg s19  }
0x20: {  	s0 =	sadd.s32 s20, s0;
	s4 =	sadd.s32 s22, s6;
	s24 =	sadd.s32 s5, s6  }
0x21: {  	s1 =	sadd.s32 s1, s6;
	s5 =	simm.s32 $0xD480;
	[dreg:$0xf] =	wrdreg s8  }
0x22: {  	s6 =	simm.s32 $0x5;
	[dreg:$0x4] =	wrdreg s4;
	s25 =	sadd.s32 $0x5780, s0  }
0x23: {  	[dreg:$0x5] =	wrdreg s24;
	s26 =	sadd.s32 $0x4B00, s0;
	s23 =	sadd.s32 $0x3E80, s0  }
0x24: {  	[dreg:$0x6] =	wrdreg s1;
	s24 =	sadd.s32 $0x3200, s0;
	s0 =	simm.s32 $0x7080  }
0x25: {  	s1 =	simm.s32 $0x3;
	s8 =	simm.s32 $0x13880;
	[dreg:$0x18] =	wrdreg s25  }
0x26: {  	[dreg:$0x19] =	wrdreg s26;
	s25 =	simm.s32 $0x320;
	s26 =	simm.s32 $0x640  }
.LBB2_1:
0x27: {  	s4 =	rddreg [dreg:$0x7]  }
0x28: {  	[tilespmem:s3], [sflag:$0x1] =	stream.linear.gather [hbm4b:s4+s3], $0x320, $0x38;
	[tilespmem:$0x19C80] =	vst v63  }
0x29: {  	s19 =	rddreg [dreg:$0x8]  }
0x2a: {  	[tilespmem:s25], [sflag:$0x2] =	stream.linear.gather [hbm4b:s19+s3], $0x320, $0x38;
	[tilespmem:$0x19C80] =	vst v63  }
0x2b: {  	s20 =	rddreg [dreg:$0x9]  }
0x2c: {  	[tilespmem:s26], [sflag:$0x3] =	stream.linear.gather [hbm4b:s20+s3], $0x320, $0x38;
	[tilespmem:$0x19C80] =	vst v63  }
0x2d: {  	s21 =	rddreg [dreg:$0xa]  }
0x2e: {  	[tilespmem:s28], [sflag:$0x4] =	stream.linear.gather [hbm4b:s21+s3], $0x320, $0x38;
	[tilespmem:$0x19C80] =	vst v63  }
0x2f: {  	_ =	swait.ge [sflag:s29], $0x320  }
0x30: {  	[sflag:s29] =	ssyncset.done $0x0  }
0x31: {  	[sflag:s29] =	ssyncadd.s32 $0xFFFFFCE0  }
0x32: {  	[tilespmem:s30], [sflag:$0x5] =	stream.indirect.gather [hbm4b:s2+s25], $0x20, s3, s25, $0xb8;
	[tilespmem:$0x19C80] =	vst v63  }
0x33: {  	_ =	swait.ge [sflag:s31], $0x320  }
0x34: {  	[sflag:s31] =	ssyncset.done $0x0  }
0x35: {  	[sflag:s31] =	ssyncadd.s32 $0xFFFFFCE0  }
0x36: {  	[tilespmem:s0], [sflag:$0x6] =	stream.indirect.gather [hbm4b:s2+s25], $0x20, s25, s25, $0xb8;
	[tilespmem:$0x19C80] =	vst v63  }
0x37: {  	_ =	swait.ge [sflag:s1], $0x320  }
0x38: {  	[sflag:s1] =	ssyncset.done $0x0  }
0x39: {  	[sflag:s1] =	ssyncadd.s32 $0xFFFFFCE0  }
0x3a: {  	[tilespmem:s5], [sflag:$0x7] =	stream.indirect.gather [hbm4b:s2+s25], $0x20, s26, s25, $0xb8;
	[tilespmem:$0x19C80] =	vst v63  }
0x3b: {  	_ =	swait.ge [sflag:s6], $0x6400  }
0x3c: {  	[sflag:s6] =	ssyncset.done $0x0  }
0x3d: {  	s22 =	rddreg [dreg:$0xb];
	[sflag:s6] =	ssyncadd.s32 $0xFFFF9C00  }
0x3e: {  	[hbm4b:s22+s3] =	stream.linear.scatter [tilespmem:s30], [sflag:$0x9], $0x6400, $0x38;
	[tilespmem:$0x19C80] =	vst v63  }
0x3f: {  	_ =	swait.ge [sflag:s7], $0x320  }
0x40: {  	[sflag:s7] =	ssyncset.done $0x0  }
0x41: {  	[sflag:s7] =	ssyncadd.s32 $0xFFFFFCE0  }
0x42: {  	[tilespmem:s8], [sflag:$0x8] =	stream.indirect.gather [hbm4b:s2+s25], $0x20, s28, s25, $0xb8;
	[tilespmem:$0x19C80] =	vst v63  }
0x43: {  	s17 =	rddreg [dreg:$0xc]  }
0x44: {  	[tilespmem:s3], [sflag:$0x1] =	stream.linear.gather [hbm4b:s17+s3], $0x320, $0x38;
	[tilespmem:$0x19C80] =	vst v63  }
0x45: {  	_ =	swait.ge [sflag:s9], $0x6400  }
0x46: {  	[sflag:s9] =	ssyncset.done $0x0  }
0x47: {  	s18 =	rddreg [dreg:$0xd];
	[sflag:s9] =	ssyncadd.s32 $0xFFFF9C00  }
0x48: {  	[hbm4b:s18+s3] =	stream.linear.scatter [tilespmem:s0], [sflag:$0xA], $0x6400, $0x38;
	[tilespmem:$0x19C80] =	vst v63  }
0x49: {  	_ =	swait.ge [sflag:s10], $0x6400  }
0x4a: {  	[sflag:s10] =	ssyncset.done $0x0  }
0x4b: {  	[sflag:s10] =	ssyncadd.s32 $0xFFFF9C00  }
0x4c: {  	_ =	swait.ge [sflag:s29], $0x320  }
0x4d: {  	[sflag:s29] =	ssyncset.done $0x0  }
0x4e: {  	[sflag:s29] =	ssyncadd.s32 $0xFFFFFCE0  }
0x4f: {  	[tilespmem:s30], [sflag:$0x5] =	stream.indirect.gather [hbm4b:s2+s25], $0x20, s3, s25, $0xb8;
	[tilespmem:$0x19C80] =	vst v63  }
0x50: {  	s19 =	rddreg [dreg:$0xe]  }
0x51: {  	[tilespmem:s25], [sflag:$0x2] =	stream.linear.gather [hbm4b:s19+s3], $0x320, $0x38;
	[tilespmem:$0x19C80] =	vst v63  }
0x52: {  	_ =	swait.ge [sflag:s11], $0x6400  }
0x53: {  	[sflag:s11] =	ssyncset.done $0x0  }
0x54: {  	s20 =	rddreg [dreg:$0xf];
	[sflag:s11] =	ssyncadd.s32 $0xFFFF9C00  }
0x55: {  	[hbm4b:s20+s3] =	stream.linear.scatter [tilespmem:s5], [sflag:$0xB], $0x6400, $0x38;
	[tilespmem:$0x19C80] =	vst v63  }
0x56: {  	_ =	swait.ge [sflag:s12], $0x6400  }
0x57: {  	[sflag:s12] =	ssyncset.done $0x0  }
0x58: {  	[sflag:s12] =	ssyncadd.s32 $0xFFFF9C00  }
0x59: {  	_ =	swait.ge [sflag:s31], $0x320  }
0x5a: {  	[sflag:s31] =	ssyncset.done $0x0  }
0x5b: {  	[sflag:s31] =	ssyncadd.s32 $0xFFFFFCE0  }
0x5c: {  	[tilespmem:s0], [sflag:$0x6] =	stream.indirect.gather [hbm4b:s2+s25], $0x20, s25, s25, $0xb8;
	[tilespmem:$0x19C80] =	vst v63  }
0x5d: {  	s21 =	rddreg [dreg:$0x10]  }
0x5e: {  	[tilespmem:s26], [sflag:$0x3] =	stream.linear.gather [hbm4b:s21+s3], $0x320, $0x38;
	[tilespmem:$0x19C80] =	vst v63  }
0x5f: {  	_ =	swait.ge [sflag:s13], $0x6400  }
0x60: {  	[sflag:s13] =	ssyncset.done $0x0  }
0x61: {  	s22 =	rddreg [dreg:$0x11];
	[sflag:s13] =	ssyncadd.s32 $0xFFFF9C00  }
0x62: {  	[hbm4b:s22+s3] =	stream.linear.scatter [tilespmem:s8], [sflag:$0xC], $0x6400, $0x38;
	[tilespmem:$0x19C80] =	vst v63  }
0x63: {  	_ =	swait.ge [sflag:s14], $0x6400  }
0x64: {  	[sflag:s14] =	ssyncset.done $0x0  }
0x65: {  	[sflag:s14] =	ssyncadd.s32 $0xFFFF9C00  }
0x66: {  	_ =	swait.ge [sflag:s1], $0x320  }
0x67: {  	[sflag:s1] =	ssyncset.done $0x0  }
0x68: {  	[sflag:s1] =	ssyncadd.s32 $0xFFFFFCE0  }
0x69: {  	[tilespmem:s5], [sflag:$0x7] =	stream.indirect.gather [hbm4b:s2+s25], $0x20, s26, s25, $0xb8;
	[tilespmem:$0x19C80] =	vst v63  }
0x6a: {  	s17 =	rddreg [dreg:$0x12]  }
0x6b: {  	[tilespmem:s28], [sflag:$0x4] =	stream.linear.gather [hbm4b:s17+s3], $0x320, $0x38;
	[tilespmem:$0x19C80] =	vst v63  }
0x6c: {  	_ =	swait.ge [sflag:s6], $0x6400  }
0x6d: {  	[sflag:s6] =	ssyncset.done $0x0  }
0x6e: {  	[sflag:s6] =	ssyncadd.s32 $0xFFFF9C00  }
0x6f: {  	[hbm4b:s24+s3] =	stream.linear.scatter [tilespmem:s30], [sflag:$0x9], $0x6400, $0x38;
	[tilespmem:$0x19C80] =	vst v63  }
0x70: {  	_ =	swait.ge [sflag:s15], $0x6400  }
0x71: {  	[sflag:s15] =	ssyncset.done $0x0  }
0x72: {  	[sflag:s15] =	ssyncadd.s32 $0xFFFF9C00  }
0x73: {  	_ =	swait.ge [sflag:s7], $0x320  }
0x74: {  	[sflag:s7] =	ssyncset.done $0x0  }
0x75: {  	s18 =	rddreg [dreg:$0x6];
	[sflag:s7] =	ssyncadd.s32 $0xFFFFFCE0  }
0x76: {  	[tilespmem:s8], [sflag:$0x8] =	stream.indirect.gather [hbm4b:s2+s25], $0x20, s28, s25, $0xb8;
	[tilespmem:$0x19C80] =	vst v63  }
0x77: {  	s4 =	sadd.s32 $0x0, s18  }
0x78: {  	[tilespmem:s3], [sflag:$0x1] =	stream.linear.gather [hbm4b:s4+s3], $0x320, $0x38;
	[tilespmem:$0x19C80] =	vst v63  }
0x79: {  	_ =	swait.ge [sflag:s9], $0x6400  }
0x7a: {  	[sflag:s9] =	ssyncset.done $0x0  }
0x7b: {  	[sflag:s9] =	ssyncadd.s32 $0xFFFF9C00  }
0x7c: {  	[hbm4b:s23+s3] =	stream.linear.scatter [tilespmem:s0], [sflag:$0xA], $0x6400, $0x38;
	[tilespmem:$0x19C80] =	vst v63  }
0x7d: {  	_ =	swait.ge [sflag:s10], $0x6400  }
0x7e: {  	[sflag:s10] =	ssyncset.done $0x0  }
0x7f: {  	[sflag:s10] =	ssyncadd.s32 $0xFFFF9C00  }
0x80: {  	_ =	swait.ge [sflag:s29], $0x320  }
0x81: {  	[sflag:s29] =	ssyncset.done $0x0  }
0x82: {  	s19 =	rddreg [dreg:$0x5];
	[sflag:s29] =	ssyncadd.s32 $0xFFFFFCE0  }
0x83: {  	[tilespmem:s30], [sflag:$0x5] =	stream.indirect.gather [hbm4b:s2+s25], $0x20, s3, s25, $0xb8;
	[tilespmem:$0x19C80] =	vst v63  }
0x84: {  	s4 =	sadd.s32 $0x0, s19  }
0x85: {  	[tilespmem:s25], [sflag:$0x2] =	stream.linear.gather [hbm4b:s4+s3], $0x320, $0x38;
	[tilespmem:$0x19C80] =	vst v63  }
0x86: {  	_ =	swait.ge [sflag:s11], $0x6400  }
0x87: {  	[sflag:s11] =	ssyncset.done $0x0  }
0x88: {  	s22 =	rddreg [dreg:$0x19];
	[sflag:s11] =	ssyncadd.s32 $0xFFFF9C00  }
0x89: {  	[hbm4b:s22+s3] =	stream.linear.scatter [tilespmem:s5], [sflag:$0xB], $0x6400, $0x38;
	[tilespmem:$0x19C80] =	vst v63  }
0x8a: {  	_ =	swait.ge [sflag:s12], $0x6400  }
0x8b: {  	[sflag:s12] =	ssyncset.done $0x0  }
0x8c: {  	[sflag:s12] =	ssyncadd.s32 $0xFFFF9C00  }
0x8d: {  	_ =	swait.ge [sflag:s31], $0x320  }
0x8e: {  	[sflag:s31] =	ssyncset.done $0x0  }
0x8f: {  	s20 =	rddreg [dreg:$0x4];
	[sflag:s31] =	ssyncadd.s32 $0xFFFFFCE0  }
0x90: {  	[tilespmem:s0], [sflag:$0x6] =	stream.indirect.gather [hbm4b:s2+s25], $0x20, s25, s25, $0xb8;
	[tilespmem:$0x19C80] =	vst v63  }
0x91: {  	s4 =	sadd.s32 $0x0, s20  }
0x92: {  	[tilespmem:s26], [sflag:$0x3] =	stream.linear.gather [hbm4b:s4+s3], $0x320, $0x38;
	[tilespmem:$0x19C80] =	vst v63  }
0x93: {  	_ =	swait.ge [sflag:s13], $0x6400  }
0x94: {  	[sflag:s13] =	ssyncset.done $0x0  }
0x95: {  	s20 =	rddreg [dreg:$0x18];
	[sflag:s13] =	ssyncadd.s32 $0xFFFF9C00  }
0x96: {  	[hbm4b:s20+s3] =	stream.linear.scatter [tilespmem:s8], [sflag:$0xC], $0x6400, $0x38;
	[tilespmem:$0x19C80] =	vst v63  }
0x97: {  	_ =	swait.ge [sflag:s14], $0x6400  }
0x98: {  	[sflag:s14] =	ssyncset.done $0x0  }
0x99: {  	s17 =	simm.s32 $0x190;
	[sflag:s14] =	ssyncadd.s32 $0xFFFF9C00  }
0x9a: {  	s18 =	sadd.s32 $0x3200, s23;
	s19 =	sadd.s32 $0x3200, s24;
	_ =	swait.ge [sflag:s1], $0x320  }
0x9b: {  	s4 =	sadd.s32 $0x3200, s22;
	[sflag:s1] =	ssyncset.done $0x0;
	s21 =	rddreg [dreg:$0x3]  }
0x9c: {  	s20 =	sadd.s32 $0x3200, s20;
	[sflag:s1] =	ssyncadd.s32 $0xFFFFFCE0;
	s21 =	sadd.s32 $0x0, s21  }
0x9d: {  	[tilespmem:s5], [sflag:$0x7] =	stream.indirect.gather [hbm4b:s2+s25], $0x20, s26, s25, $0xb8;
	[tilespmem:$0x19C80] =	vst v63  }
.LBB2_2:
0x9e: {  	[tilespmem:s28], [sflag:$0x4] =	stream.linear.gather [hbm4b:s21+s3], $0x320, $0x38;
	[tilespmem:$0x19C80] =	vst v63  }
0x9f: {  	_ =	swait.ge [sflag:s6], $0x6400  }
0xa0: {  	[sflag:s6] =	ssyncset.done $0x0  }
0xa1: {  	[sflag:s6] =	ssyncadd.s32 $0xFFFF9C00  }
0xa2: {  	[hbm4b:s19+s3] =	stream.linear.scatter [tilespmem:s30], [sflag:$0x9], $0x6400, $0x38;
	[tilespmem:$0x19C80] =	vst v63  }
0xa3: {  	_ =	swait.ge [sflag:s15], $0x6400  }
0xa4: {  	[sflag:s15] =	ssyncset.done $0x0  }
0xa5: {  	[sflag:s15] =	ssyncadd.s32 $0xFFFF9C00  }
0xa6: {  	_ =	swait.ge [sflag:s7], $0x320  }
0xa7: {  	[sflag:s7] =	ssyncset.done $0x0  }
0xa8: {  	s21 =	smov.u32 s17;
	s22 =	rddreg [dreg:$0x6];
	[sflag:s7] =	ssyncadd.s32 $0xFFFFFCE0  }
0xa9: {  	[tilespmem:s8], [sflag:$0x8] =	stream.indirect.gather [hbm4b:s2+s25], $0x20, s28, s25, $0xb8;
	[tilespmem:$0x19C80] =	vst v63  }
0xaa: {  	s22 =	sadd.s32 s21, s22  }
0xab: {  	[tilespmem:s3], [sflag:$0x1] =	stream.linear.gather [hbm4b:s22+s3], $0x320, $0x38;
	[tilespmem:$0x19C80] =	vst v63  }
0xac: {  	_ =	swait.ge [sflag:s9], $0x6400  }
0xad: {  	[sflag:s9] =	ssyncset.done $0x0  }
0xae: {  	[sflag:s9] =	ssyncadd.s32 $0xFFFF9C00  }
0xaf: {  	[hbm4b:s18+s3] =	stream.linear.scatter [tilespmem:s0], [sflag:$0xA], $0x6400, $0x38;
	[tilespmem:$0x19C80] =	vst v63  }
0xb0: {  	_ =	swait.ge [sflag:s10], $0x6400  }
0xb1: {  	[sflag:s10] =	ssyncset.done $0x0  }
0xb2: {  	[sflag:s10] =	ssyncadd.s32 $0xFFFF9C00  }
0xb3: {  	_ =	swait.ge [sflag:s29], $0x320  }
0xb4: {  	[sflag:s29] =	ssyncset.done $0x0  }
0xb5: {  	s22 =	rddreg [dreg:$0x5];
	[sflag:s29] =	ssyncadd.s32 $0xFFFFFCE0  }
0xb6: {  	[tilespmem:s30], [sflag:$0x5] =	stream.indirect.gather [hbm4b:s2+s25], $0x20, s3, s25, $0xb8;
	[tilespmem:$0x19C80] =	vst v63  }
0xb7: {  	s22 =	sadd.s32 s21, s22  }
0xb8: {  	[tilespmem:s25], [sflag:$0x2] =	stream.linear.gather [hbm4b:s22+s3], $0x320, $0x38;
	[tilespmem:$0x19C80] =	vst v63  }
0xb9: {  	_ =	swait.ge [sflag:s11], $0x6400  }
0xba: {  	[sflag:s11] =	ssyncset.done $0x0  }
0xbb: {  	[sflag:s11] =	ssyncadd.s32 $0xFFFF9C00  }
0xbc: {  	[hbm4b:s4+s3] =	stream.linear.scatter [tilespmem:s5], [sflag:$0xB], $0x6400, $0x38;
	[tilespmem:$0x19C80] =	vst v63  }
0xbd: {  	_ =	swait.ge [sflag:s12], $0x6400  }
0xbe: {  	[sflag:s12] =	ssyncset.done $0x0  }
0xbf: {  	[sflag:s12] =	ssyncadd.s32 $0xFFFF9C00  }
0xc0: {  	_ =	swait.ge [sflag:s31], $0x320  }
0xc1: {  	[sflag:s31] =	ssyncset.done $0x0  }
0xc2: {  	s22 =	rddreg [dreg:$0x4];
	[sflag:s31] =	ssyncadd.s32 $0xFFFFFCE0  }
0xc3: {  	[tilespmem:s0], [sflag:$0x6] =	stream.indirect.gather [hbm4b:s2+s25], $0x20, s25, s25, $0xb8;
	[tilespmem:$0x19C80] =	vst v63  }
0xc4: {  	s22 =	sadd.s32 s21, s22  }
0xc5: {  	[tilespmem:s26], [sflag:$0x3] =	stream.linear.gather [hbm4b:s22+s3], $0x320, $0x38;
	[tilespmem:$0x19C80] =	vst v63  }
0xc6: {  	_ =	swait.ge [sflag:s13], $0x6400  }
0xc7: {  	[sflag:s13] =	ssyncset.done $0x0  }
0xc8: {  	[sflag:s13] =	ssyncadd.s32 $0xFFFF9C00  }
0xc9: {  	[hbm4b:s20+s3] =	stream.linear.scatter [tilespmem:s8], [sflag:$0xC], $0x6400, $0x38;
	[tilespmem:$0x19C80] =	vst v63  }
0xca: {  	_ =	swait.ge [sflag:s14], $0x6400  }
0xcb: {  	p0 =	sne.s32 s17, $0x2D50;
	[sflag:s14] =	ssyncset.done $0x0  }
.Ltmp0:
0xcc: {  	s17 =	sadd.s32 $0x190, s17;
	[sflag:s14] =	ssyncadd.s32 $0xFFFF9C00;
	(pc) =	sbr.rel @p0 .LBB2_2-.Ltmp0, $4  }
0xcd: {  	s19 =	sadd.s32 $0x3200, s19;
	s18 =	sadd.s32 $0x3200, s18;
	_ =	swait.ge [sflag:s1], $0x320  }
0xce: {  	s4 =	sadd.s32 $0x3200, s4;
	[sflag:s1] =	ssyncset.done $0x0;
	s22 =	rddreg [dreg:$0x3]  }
0xcf: {  	s20 =	sadd.s32 $0x3200, s20;
	[sflag:s1] =	ssyncadd.s32 $0xFFFFFCE0;
	s21 =	sadd.s32 s21, s22  }
0xd0: {  	[tilespmem:s5], [sflag:$0x7] =	stream.indirect.gather [hbm4b:s2+s25], $0x20, s26, s25, $0xb8;
	[tilespmem:$0x19C80] =	vst v63  }
0xd1: {  	[tilespmem:s28], [sflag:$0x4] =	stream.linear.gather [hbm4b:s21+s3], $0x320, $0x38;
	[tilespmem:$0x19C80] =	vst v63  }
0xd2: {  	_ =	swait.ge [sflag:s6], $0x6400  }
0xd3: {  	[sflag:s6] =	ssyncset.done $0x0  }
0xd4: {  	s4 =	rddreg [dreg:$0x13];
	[sflag:s6] =	ssyncadd.s32 $0xFFFF9C00  }
0xd5: {  	[hbm4b:s4+s3] =	stream.linear.scatter [tilespmem:s30], [sflag:$0x9], $0x6400, $0x38;
	[tilespmem:$0x19C80] =	vst v63  }
0xd6: {  	_ =	swait.ge [sflag:s15], $0x6400  }
0xd7: {  	[sflag:s15] =	ssyncset.done $0x0  }
0xd8: {  	[sflag:s15] =	ssyncadd.s32 $0xFFFF9C00  }
0xd9: {  	_ =	swait.ge [sflag:s7], $0x320  }
0xda: {  	[sflag:s7] =	ssyncset.done $0x0  }
0xdb: {  	[sflag:s7] =	ssyncadd.s32 $0xFFFFFCE0  }
0xdc: {  	[tilespmem:s8], [sflag:$0x8] =	stream.indirect.gather [hbm4b:s2+s25], $0x20, s28, s25, $0xb8;
	[tilespmem:$0x19C80] =	vst v63  }
0xdd: {  	_ =	swait.ge [sflag:s9], $0x6400  }
0xde: {  	[sflag:s9] =	ssyncset.done $0x0  }
0xdf: {  	s19 =	rddreg [dreg:$0x14];
	[sflag:s9] =	ssyncadd.s32 $0xFFFF9C00  }
0xe0: {  	[hbm4b:s19+s3] =	stream.linear.scatter [tilespmem:s0], [sflag:$0xA], $0x6400, $0x38;
	[tilespmem:$0x19C80] =	vst v63  }
0xe1: {  	_ =	swait.ge [sflag:s10], $0x6400  }
0xe2: {  	[sflag:s10] =	ssyncset.done $0x0  }
0xe3: {  	[sflag:s10] =	ssyncadd.s32 $0xFFFF9C00  }
0xe4: {  	_ =	swait.ge [sflag:s11], $0x6400  }
0xe5: {  	[sflag:s11] =	ssyncset.done $0x0  }
0xe6: {  	s20 =	rddreg [dreg:$0x15];
	[sflag:s11] =	ssyncadd.s32 $0xFFFF9C00  }
0xe7: {  	[hbm4b:s20+s3] =	stream.linear.scatter [tilespmem:s5], [sflag:$0xB], $0x6400, $0x38;
	[tilespmem:$0x19C80] =	vst v63  }
0xe8: {  	_ =	swait.ge [sflag:s12], $0x6400  }
0xe9: {  	[sflag:s12] =	ssyncset.done $0x0  }
0xea: {  	[sflag:s12] =	ssyncadd.s32 $0xFFFF9C00  }
0xeb: {  	_ =	swait.ge [sflag:s13], $0x6400  }
0xec: {  	[sflag:s13] =	ssyncset.done $0x0  }
0xed: {  	s21 =	rddreg [dreg:$0x16];
	[sflag:s13] =	ssyncadd.s32 $0xFFFF9C00  }
0xee: {  	[hbm4b:s21+s3] =	stream.linear.scatter [tilespmem:s8], [sflag:$0xC], $0x6400, $0x38;
	[tilespmem:$0x19C80] =	vst v63  }
0xef: {  	_ =	swait.ge [sflag:s14], $0x6400  }
0xf0: {  	[sflag:s14] =	ssyncset.done $0x0  }
0xf1: {  	[sflag:s14] =	ssyncadd.s32 $0xFFFF9C00  }
0xf2: {  	_ =	swait.ge [sflag:s15], $0x6400  }
0xf3: {  	s16 =	sadd.s32 $0x1, s16;
	s22 =	rddreg [dreg:$0x17]  }
0xf4: {  	p0 =	sne.s32 s16, s22  }
.Ltmp1:
0xf5: {  	_ = 	snop;
	(pc) =	sbr.rel @p0 .LBB2_1-.Ltmp1, $3  }
0xf6: {  	_ =	sdelay $0x1  }
0xf7: {  	[sflag:s15] =	ssyncset.done $0x0  }
0xf8: {  	[sflag:s15] =	ssyncadd.s32 $0xFFFF9C00  }
0xf9: {  	_ =	sfence.sel $0x180000  }
0xfa: {  	[bflag:$0x0] =	sbarrier.arrive $0xFFFF  }
0xfb: {  	_ =	strace $0x90000047  }
0xfc: {  	s0 =	stileid.u32;
	[bflag:$0x2] =	sbarrier.arrive $0xFFFF  }
0xfd: {  	p0 =	sne.s32 s0, $0x0;
	s0 =	rddreg [dreg:$0x2]  }
0xfe: {  	s0 =	sadd.s32 @!p0 $0x100000, s0  }
0xff: {  	[sflag:s0] =	ssyncadd.tile.s32 @!p0 $0x1;
	_ =	shalt  }
.Lfunc_end2:
_tile_overlayer_lowered:
.L_overlay_start_2:
0x100: {  	(tag) =	ssettag $0x2  }
0x101: {  	s0 =	rddreg [dreg:$0x0];
	s2 =	stileid.u32  }
0x102: {  	s1 =	rddreg [dreg:$0x1];
	p0 =	sne.s32 s2, $0x0  }
0x103: {  	s3 =	rddreg [dreg:$0x2];
	[bflag:$0x3] =	sbarrier.arrive $0xFFFF;
	s2 =	simm.s32 @!p0 $0x1C0D  }
0x104: {  	[timem:s3], [sflag:s2] =	dma.local @!p0 [hbm:s0], s1  }
0x105: {  	s0 =	simm.s32 @!p0 $0xD  }
0x106: {  	_ =	swait.ge @!p0 [sflag:s0], s1  }
0x107: {  	s1 =	ssub.s32 @!p0 $0x0, s1;
	[sflag:s0] =	ssyncset.done @!p0 $0x0  }
0x108: {  	[sflag:s0] =	ssyncadd.s32 @!p0 s1  }
0x109: {  	[bflag:$0x3] =	sbarrier.arrive $0xFFFF  }
0x10a: {  	_ =	shalt  }

// kernel: kernel.7.cloned.1.call-start
scs
__scs_entry_jumppad:
0x0: {  	(pc) =	sbr.rel $0x88, $3  }
0x1: {  	(tag) =	ssettag $0x0;
	lr =	simm.s32 $0x1  }
0x2: {  	[smem:$0x3F9F] =	sst lr;
	_ =	strace $0xD0000000  }
0x3: {  	_ = 	snop  }
0x4: {  	_ = 	snop  }
0x5: {  	_ = 	snop  }
0x6: {  	_ = 	snop  }
0x7: {  	_ = 	snop  }
__scs_overlays_trampoline_lowered:
0x8: {  	[smem:$0x3FAE] =	sst s0  }
0x9: {  	[smem:$0x3FAF] =	sst s1  }
0xa: {  	[smem:$0x3FB0] =	sst s2  }
0xb: {  	[smem:$0x3FB1] =	sst s3  }
0xc: {  	[smem:$0x3FB2] =	sst s4  }
0xd: {  	[smem:$0x3FB3] =	sst s5  }
0xe: {  	[smem:$0x3FB4] =	sst s6  }
0xf: {  	[smem:$0x3FB5] =	sst s7  }
0x10: {  	[smem:$0x3FB6] =	sst s8  }
0x11: {  	[smem:$0x3FB7] =	sst s9;
	s0 =	simm.s32 @!p0 $0x0  }
0x12: {  	s1 =	sld [smem:$0x3F9D];
	s0 =	simm.s32 @p0 $0x1  }
0x13: {  	[smem:$0x3FB8] =	sst s0;
	s0 =	simm.s32 @!p1 $0x0  }
0x14: {  	s2 =	sld [smem:$0x3F9C];
	s0 =	simm.s32 @p1 $0x1  }
0x15: {  	[smem:$0x3FB9] =	sst s0;
	s0 =	simm.s32 @!p2 $0x0  }
0x16: {  	s3 =	sld [smem:$0x3FDB];
	s0 =	simm.s32 @p2 $0x1  }
0x17: {  	s4 =	simm.s32 $0x1BF5;
	[smem:$0x3FBB] =	sst s0  }
0x18: {  	s0 =	sld [smem:$0x3F9E];
	_ =	swait.ge [sflag:s4], $0x0  }
0x19: {  	s7 =	sld [smem:$0x3F9F]  }
0x1a: {  	s8 =	sadd.s32 $0xFFFFE003, lr  }
0x1b: {  	s9 =	sadd.s32 $0xFFFFFEF7, lr;
	s5 =	simm.s32 $0xFFFFFFFF;
	p2 =	slt.u32 s8, $0xFFFFF086  }
0x1c: {  	p1 =	slt.u32 s9, $0xF7A;
	s5 =	simm.s32 @!p2 $0x0  }
0x1d: {  	s5 =	simm.s32 @p1 $0x1;
	p0 =	seq.s32 s7, s2  }
0x1e: {  	s7 =	smul.u32 @!p0 $0xF7A, s2;
	p2 =	seq.s32 @!p0 s5, $0x0  }
0x1f: {  	s9 =	smul.u32 $0xF7A, s1;
	s8 =	simm.s32 @!p0 $0x1BF5;
	p2 =	por !p2, p0  }
0x20: {  	[sflag:s8] =	ssyncset.s32 @!p0 $0xFFFFF086;
	s6 =	sadd.s32 @!p0 s3, s7;
	s7 =	simm.s32 @!p0 $0x108  }
0x21: {  	s3 =	sadd.s32 s3, s9;
	s6 =	sadd.s32 @!p0 $0x88, s6;
	s7 =	simm.s32 @p2 $0x1082  }
0x22: {  	[simem:s7], [sflag:s8] =	dma.local @!p0 [hbm:s6], $0xF7A  }
0x23: {  	s9 =	sor.u32 $0xD0000000, s2;
	s6 =	simm.s32 $0x108;
	_ =	swait.ge @!p0 [sflag:s8], $0x0  }
0x24: {  	s3 =	sadd.s32 $0x88, s3;
	s6 =	simm.s32 @!p1 $0x1082;
	[sflag:s4] =	ssyncset.s32 $0xFFFFF086  }
0x25: {  	[simem:s6], [sflag:s4] =	dma.local [hbm:s3], $0xF7A  }
0x26: {  	[smem:$0x3F9F] =	sst s1;
	(tag) =	ssettag s2;
	_ =	strace s9  }
0x27: {  	s1 =	sld [smem:$0x3FAF]  }
0x28: {  	s2 =	sld [smem:$0x3FB0]  }
0x29: {  	s4 =	sld [smem:$0x3FB2]  }
0x2a: {  	p0 =	seq.s32 s5, $0x0;
	s5 =	sld [smem:$0x3FB3]  }
0x2b: {  	s6 =	sld [smem:$0x3FB4]  }
0x2c: {  	s7 =	sld [smem:$0x3FB5]  }
0x2d: {  	s3 =	simm.s32 $0x108;
	s8 =	sld [smem:$0x3FB6]  }
0x2e: {  	s3 =	simm.s32 @!p0 $0x1082;
	s9 =	sld [smem:$0x3FB7]  }
0x2f: {  	lr =	sadd.s32 s0, s3;
	s0 =	sld [smem:$0x3FAE]  }
0x30: {  	s3 =	sld [smem:$0x3FB1]  }
0x31: {  	[smem:$0x3FBA] =	sst s10  }
0x32: {  	s10 =	sld [smem:$0x3FB8];
	_ =	sdelay $0x3  }
0x33: {  	p0 =	seq.s32 s10, $0x1;
	s10 =	sld [smem:$0x3FBA];
	_ =	sdelay $0x3  }
0x34: {  	[smem:$0x3FBA] =	sst s10  }
0x35: {  	s10 =	sld [smem:$0x3FB9];
	_ =	sdelay $0x3  }
0x36: {  	p1 =	seq.s32 s10, $0x1;
	s10 =	sld [smem:$0x3FBA];
	_ =	sdelay $0x3  }
0x37: {  	[smem:$0x3FBA] =	sst s10  }
0x38: {  	s10 =	sld [smem:$0x3FBB]  }
0x39: {  	_ = 	snop;
	(pc) =	sbr.ind lr, $3  }
0x3a: {  	_ = 	snop  }
0x3b: {  	_ = 	snop  }
0x3c: {  	p2 =	seq.s32 s10, $0x1;
	s10 =	sld [smem:$0x3FBA]  }
0x3d: {  	_ =	shalt  }
0x3e: {  	_ =	shalt  }
0x3f: {  	_ =	shalt  }
0x40: {  	_ =	shalt  }
0x41: {  	_ =	shalt  }
0x42: {  	_ =	shalt  }
0x43: {  	_ =	shalt  }
0x44: {  	_ =	shalt  }
0x45: {  	_ =	shalt  }
0x46: {  	_ =	shalt  }
0x47: {  	_ =	shalt  }
0x48: {  	_ =	shalt  }
0x49: {  	_ =	shalt  }
0x4a: {  	_ =	shalt  }
0x4b: {  	_ =	shalt  }
0x4c: {  	_ =	shalt  }
0x4d: {  	_ =	shalt  }
0x4e: {  	_ =	shalt  }
0x4f: {  	_ =	shalt  }
0x50: {  	_ =	shalt  }
0x51: {  	_ =	shalt  }
0x52: {  	_ =	shalt  }
0x53: {  	_ =	shalt  }
0x54: {  	_ =	shalt  }
0x55: {  	_ =	shalt  }
0x56: {  	_ =	shalt  }
0x57: {  	_ =	shalt  }
0x58: {  	_ =	shalt  }
0x59: {  	_ =	shalt  }
0x5a: {  	_ =	shalt  }
0x5b: {  	_ =	shalt  }
0x5c: {  	_ =	shalt  }
0x5d: {  	_ =	shalt  }
0x5e: {  	_ =	shalt  }
0x5f: {  	_ =	shalt  }
0x60: {  	_ =	shalt  }
0x61: {  	_ =	shalt  }
0x62: {  	_ =	shalt  }
0x63: {  	_ =	shalt  }
0x64: {  	_ =	shalt  }
0x65: {  	_ =	shalt  }
0x66: {  	_ =	shalt  }
0x67: {  	_ =	shalt  }
0x68: {  	_ =	shalt  }
0x69: {  	_ =	shalt  }
0x6a: {  	_ =	shalt  }
0x6b: {  	_ =	shalt  }
0x6c: {  	_ =	shalt  }
0x6d: {  	_ =	shalt  }
0x6e: {  	_ =	shalt  }
0x6f: {  	_ =	shalt  }
0x70: {  	_ =	shalt  }
0x71: {  	_ =	shalt  }
0x72: {  	_ =	shalt  }
0x73: {  	_ =	shalt  }
0x74: {  	_ =	shalt  }
0x75: {  	_ =	shalt  }
0x76: {  	_ =	shalt  }
0x77: {  	_ =	shalt  }
0x78: {  	_ =	shalt  }
0x79: {  	_ =	shalt  }
0x7a: {  	_ =	shalt  }
0x7b: {  	_ =	shalt  }
0x7c: {  	_ =	shalt  }
0x7d: {  	_ =	shalt  }
0x7e: {  	_ =	shalt  }
0x7f: {  	_ =	shalt  }
0x80: {  	_ =	shalt  }
0x81: {  	_ =	shalt  }
0x82: {  	_ =	shalt  }
0x83: {  	_ =	shalt  }
0x84: {  	_ =	shalt  }
0x85: {  	_ =	shalt  }
0x86: {  	_ =	shalt  }
0x87: {  	_ =	shalt  }
.Lfunc_end0:
.L_simem_size_0:
called_computation.1_lowered:
.L_overlay_start_0:
0x88: {  	s2 =	sld [smem:$0x3FD9]  }
0x89: {  	s3 =	sld [smem:$0x3FFE];
	_ =	sdelay $0x1  }
0x8a: {  	s1 =	srdreg.scid  }
0x8b: {  	s0 =	sand.u32 $0x1, s1  }
0x8c: {  	s17 =	sshll.u32 s0, $0xA;
	s2 =	sadd.s32 s3, s2  }
0x8d: {  	s2 =	sadd.s32 s2, s17  }
0x8e: {  	[smem:$0x3FC6] =	sst s2  }
0x8f: {  	_ = 	snop  }
0x90: {  	s2 =	sld [smem:$0x3FD0];
	(tm) =	ssettm $0x1  }
0x91: {  	s18 =	sld [smem:$0x3FFB];
	_ =	sdelay $0x3  }
0x92: {  	_ =	strace s18  }
0x93: {  	s3 =	sld [smem:$0x3FFC];
	_ =	sdelay $0x3  }
0x94: {  	_ =	strace s3  }
0x95: {  	s3 =	sld [smem:$0x3FFD];
	_ =	sdelay $0x3  }
0x96: {  	_ =	strace s3  }
0x97: {  	_ =	strace $0x8FFFFFFF  }
0x98: {  	s19 =	sld [smem:$0x3FDB];
	_ =	sdelay $0x1  }
0x99: {  	s4 =	simm.s32 $_scs_section_size  }
0x9a: {  	s5 =	simm.s32 $_size__tile_overlayer_lowered;
	s6 =	simm.s32 $_tile_overlayer_lowered  }
0x9b: {  	s22 =	simm.s32 $0x1BFF;
	s21 =	sshll.u32 s6, $0x1;
	s3 =	sadd.s32 s4, s19  }
0x9c: {  	s7 =	simm.s32 $0x0;
	s20 =	sshll.u32 s5, $0x1;
	s5 =	sadd.s32 s21, s3  }
0x9d: {  	[timem:s7], [sflag:s22] =	dma.local [hbm:s5], s20  }
0x9e: {  	_ =	swait.ge [sflag:s22], s20  }
0x9f: {  	s4 =	ssub.s32 $0x0, s20;
	[sflag:s22] =	ssyncset.done $0x0  }
0xa0: {  	[sflag:s22] =	ssyncadd.s32 s4;
	_ =	sdelay $0x1  }
0xa1: {  	s23 =	simm.s32 $0x1B8B  }
0xa2: {  	_ =	swait.ge [sflag:s23], $0x1  }
0xa3: {  	[sflag:s23] =	ssyncset.done $0x0  }
0xa4: {  	s25 =	simm.s32 $0x1B8E;
	s24 =	sld [smem:$0x3FFE];
	[sflag:s23] =	ssyncadd.s32 $0xFFFFFFFF  }
0xa5: {  	s26 =	simm.s32 $execute0_lowered;
	[smem:$0x3FD2] =	sst s25  }
0xa6: {  	s5 =	sshll.u32 s26, $0x1;
	_ =	strace $0x80000049;
	[dreg:$0x1] =	wrdreg $0xFFFFFFFF  }
0xa7: {  	s28 =	simm.s32 $_size_execute0_lowered;
	s3 =	sadd.s32 s3, s5;
	[dreg:$0x0] =	wrdreg $0x0  }
0xa8: {  	s5 =	sshll.u32 s28, $0x1;
	[dreg:$0x2] =	wrdreg s3  }
0xa9: {  	[dreg:$0x3] =	wrdreg s5  }
0xaa: {  	[dreg:$0x4] =	wrdreg $0xC0  }
0xab: {  	_ =	task [dreg:s7], $0x5FFFF  }
0xac: {  	[dreg:$0x1] =	wrdreg $0xFFFFFFFF  }
0xad: {  	[dreg:$0x0] =	wrdreg $0x60  }
0xae: {  	[dreg:$0x2] =	wrdreg s24  }
0xaf: {  	[dreg:$0x3] =	wrdreg s2  }
0xb0: {  	[dreg:$0x4] =	wrdreg $0x9  }
0xb1: {  	_ =	task.clear_ibuf [dreg:s7], $0x5FFFF;
	_ =	strace $0x90000049  }
0xb2: {  	s29 =	simm.s32 $0x9;
	_ =	strace $0x8000004B  }
0xb3: {  	_ =	swait.ge [sflag:s29], $0x1  }
0xb4: {  	[sflag:s29] =	ssyncadd.s32 $0xFFFFFFFF  }
0xb5: {  	_ =	strace $0x9000004B  }
0xb6: {  	_ =	sfence  }
0xb7: {  	s30 =	sld [smem:$0x0];
	_ =	sdelay $0x2  }
0xb8: {  	s31 =	sshll.u32 s1, $0xD;
	s1 =	sshrl.u32 s1, $0x2  }
0xb9: {  	s3 =	sand.u32 $0x4000, s31;
	s1 =	sadd.s32 s1, s30  }
0xba: {  	s0 =	sor.u32 s3, s0;
	s1 =	sshll.u32 s1, $0x11  }
0xbb: {  	s0 =	sor.u32 s1, s0  }
0xbc: {  	s0 =	sadd.s32 $0x8F2B, s0  }
0xbd: {  	[sflag:s0] =	ssyncadd.remote.s32 $0x1  }
0xbe: {  	_ =	sfence.sel $0xFFFF  }
0xbf: {  	[dreg:$0x0] =	wrdreg $0xFFFFFFFF;
	(pc) =	sbr.abs _section_cstart, $3  }
0xc0: {  	[dreg:$0x1] =	wrdreg $0xFFFFFFFF  }
0xc1: {  	_ =	task.clear_ibuf [dreg:s7], $0x2FFFF;
	_ =	strace $0x9FFFFFFF  }
0xc2: {  	(tm) =	ssettm $0x7FFFFFFF  }
0xc3: {  	_ =	shalt  }
tec
execute0_lowered:
.L_overlay_start_1:
0x0: {  	(tag) =	ssettag $0x1  }
0x1: {  	v0 =	vimm.s32 $0x1380  }
0x2: {  	vm0 =	vcmask $0x300;
	v1 =	vimm.s32 $0x3380;
	vm1 =	vcmask $0x704  }
0x3: {  	vm15 =	vcmask $0xB08;
	v0 =	vsel vm0, $0x0, v0;
	v1 =	vsel vm0, $0x2000, v1  }
0x4: {  	s4 =	rddreg [dreg:$0x0];
	vm4 =	vcmask $0xF0C;
	v0 =	vsel vm1, $0x80, v0;
	v1 =	vsel vm1, $0x2080, v1  }
0x5: {  	s1 =	rddreg [dreg:$0x1];
	vm5 =	vcmask $0x1310;
	v0 =	vsel vm15, $0x100, v0;
	v1 =	vsel vm15, $0x2100, v1  }
0x6: {  	s5 =	srdreg.scid;
	s0 =	stileid.u32;
	vm6 =	vcmask $0x1714;
	v0 =	vsel vm4, $0x180, v0;
	v1 =	vsel vm4, $0x2180, v1  }
0x7: {  	s3 =	simm.s32 $0x0;
	vm7 =	vcmask $0x1B18;
	s14 =	simm.s32 $0x1;
	s15 =	simm.s32 $0x4000;
	v0 =	vsel vm5, $0x200, v0;
	v1 =	vsel vm5, $0x2200, v1  }
0x8: {  	vm8 =	vcmask $0x1F1C;
	s16 =	simm.s32 $0x8000;
	s17 =	simm.s32 $0x1000;
	s18 =	simm.s32 $0x20000;
	v0 =	vsel vm6, $0x280, v0;
	v1 =	vsel vm6, $0x2280, v1  }
0x9: {  	vm9 =	vcmask $0x2320;
	s19 =	simm.s32 $0x2;
	s20 =	simm.s32 $0xC000;
	s21 =	simm.s32 $0x3;
	v0 =	vsel vm7, $0x300, v0;
	v1 =	vsel vm7, $0x2300, v1  }
0xa: {  	vm10 =	vcmask $0x2724;
	s22 =	simm.s32 $0x4;
	s5 =	sand.u32 $0x1, s5;
	s6 =	sshll.u32 s0, $0x1;
	v0 =	vsel vm8, $0x380, v0;
	v1 =	vsel vm8, $0x2380, v1  }
0xb: {  	vm11 =	vcmask $0x2B28;
	s23 =	simm.s32 $0x0;
	[smem:$0x7FF] =	sst s3;
	s7 =	sor.u32 s5, s6;
	v0 =	vsel vm9, $0x1000, v0;
	v1 =	vsel vm9, $0x3000, v1  }
0xc: {  	vm12 =	vcmask $0x2F2C;
	_ =	strace $0x8000004A;
	s10 =	ssub.s32 $0x2, s5;
	s6 =	sshll.u32 s7, $0xB;
	v0 =	vsel vm10, $0x1080, v0;
	v1 =	vsel vm10, $0x3080, v1  }
0xd: {  	vm13 =	vcmask $0x3330;
	s12 =	sshrl.u32 s10, $0x1;
	s30 =	sshll.u32 s7, $0x9;
	s7 =	sshll.u32 s7, $0xC;
	v0 =	vsel vm11, $0x1100, v0;
	v1 =	vsel vm11, $0x3100, v1  }
0xe: {  	vm14 =	vcmask $0x3734;
	s11 =	sadd.s32 s6, s4;
	s6 =	sadd.s32 s1, s30;
	s13 =	ssub.s32 s10, s12;
	v0 =	vsel vm12, $0x1180, v0;
	v1 =	vsel vm12, $0x3180, v1  }
0xf: {  	vm15 =	vcmask $0x3B38;
	s4 =	sadd.s32 $0x64800, s11;
	s31 =	sadd.s32 $0x74800, s11;
	s8 =	sadd.s32 $0x84800, s11;
	v0 =	vsel vm13, $0x1200, v0;
	v1 =	vsel vm13, $0x3200, v1  }
0x10: {  	s9 =	sadd.s32 $0x10000, s6;
	s10 =	sadd.s32 $0xCD4800, s11;
	s11 =	sadd.s32 $0xC60000, s6;
	v0 =	vsel vm14, $0x1280, v0;
	v1 =	vsel vm14, $0x3280, v1  }
0x11: {  	s12 =	sadd.s32 $0xC70000, s6;
	s13 =	smax.u32 s13, $0x1;
	[dreg:$0x3] =	wrdreg s31;
	v0 =	vsel vm15, $0x1300, v0;
	v1 =	vsel vm15, $0x3300, v1  }
.LBB2_1:
0x12: {  	[tilespmem:s3], [sflag:$0x1] =	stream.linear.gather [hbm4b:s4+s3], $0x4000, $0x38;
	[tilespmem:$0x10000] =	vst v63  }
0x13: {  	s24 =	simm.s32 $0x3  }
0x14: {  	_ =	swait.ge [sflag:s14], $0x4000;
	v2 =	vmov s24  }
0x15: {  	s25 =	simm.s32 $0x60;
	[sflag:s14] =	ssyncset.done $0x0;
	v3 =	vshll.u32 v2, $0x3  }
0x16: {  	s24 =	simm.s32 $0x40;
	s0 =	rddreg [dreg:$0x3];
	v2 =	vand.u32 $0x7F, v2;
	[sflag:s14] =	ssyncadd.s32 $0xFFFFC000;
	v3 =	vand.u32 $0xC00, v3  }
0x17: {  	[tilespmem:s15], [sflag:$0x2] =	stream.linear.gather [hbm4b:s0+s3], $0x4000, $0x38;
	v2 =	vor.u32 v2, v3;
	[tilespmem:$0x10000] =	vst v63  }
0x18: {  	s26 =	simm.s32 $0x1;
	s28 =	simm.s32 $0x20;
	s29 =	sor.u32 $0x70, s25;
	v3 =	vmov s3;
	v5 =	vld [tilespmem:s24+$0x20];
	v7 =	vor.u32 v0, v2  }
0x19: {  	s30 =	simm.s32 $0x40;
	s31 =	simm.s32 $0x2;
	s28 =	sor.u32 $0x30, s28;
	v4 =	vand.u32 $0x7C, v3;
	v3 =	vshll.u32 v3, $0x3;
	v14 =	vld [tilespmem:s29+$0x0];
	v15 =	vor.u32 v1, v2  }
0x1a: {  	s30 =	sor.u32 $0x50, s30;
	v6 =	vmov s26;
	v12 =	vmov s31;
	v2 =	vld [tilespmem:s28+$0x0];
	v3 =	vand.u32 $0xC00, v3  }
0x1b: {  	v13 =	vand.u32 $0x7D, v6;
	v11 =	vor.u32 v4, v3;
	v4 =	vshll.u32 v6, $0x3;
	v3 =	vld [tilespmem:s30+$0x0]  }
0x1c: {  	v10 =	vand.u32 $0x7E, v12;
	v8 =	vld [tilespmem:s24+$0xFFFFFFC0];
	v9 =	vor.u32 v0, v11;
	v16 =	vand.u32 $0xC00, v4  }
0x1d: {  	s28 =	simm.s32 $0x7;
	v4 =	vld [tilespmem:s24+$0xFFFFFFD0];
	v6 =	vor.u32 v1, v11;
	v11 =	vor.u32 v13, v16;
	v13 =	vshll.u32 v12, $0x3;
	[tilespmem:v7+s16+$0x0] =	vst.idx.msk $0xffff, v5  }
0x1e: {  	s26 =	simm.s32 $0x4;
	v12 =	vmov s28;
	s28 =	simm.s32 $0x8;
	v5 =	vld [tilespmem:s24+$0xFFFFFFE0];
	v7 =	vor.u32 v0, v11;
	v13 =	vand.u32 $0xC00, v13;
	[tilespmem:v15+s16+$0x0] =	vst.idx.msk $0xffff, v14  }
.LBB2_2:
0x1f: {  	p0 =	slt.u32 s28, $0x1FC;
	v14 =	vshll.u32 v12, $0x3;
	v11 =	vor.u32 v1, v11;
	v15 =	vld [tilespmem:s24+$0x0];
	v10 =	vor.u32 v10, v13  }
0x20: {  	v12 =	vand.u32 $0x7F, v12;
	v13 =	vand.u32 $0xC00, v14;
	v14 =	vor.u32 v0, v10;
	v16 =	vmovc v3  }
0x21: {  	s29 =	sadd.s32 $0x1, s26;
	s25 =	sadd.s32 $0x80, s25;
	s24 =	sadd.s32 $0x80, s24;
	v3 =	vor.u32 v12, v13;
	[tilespmem:v9+s16+$0x0] =	vst.idx.msk $0xffff, v8;
	v12 =	vor.u32 v1, v10  }
0x22: {  	s30 =	sadd.s32 $0xFFFFFFC0, s25;
	s31 =	sadd.s32 $0xFFFFFFE0, s25;
	s0 =	sor.u32 $0x70, s25;
	v8 =	vmov s26;
	v13 =	vld [tilespmem:s24+$0x20];
	v17 =	vor.u32 v0, v3;
	[tilespmem:v6+s16+$0x0] =	vst.idx.msk $0xffff, v4  }
0x23: {  	s30 =	sor.u32 $0x30, s30;
	s26 =	sadd.s32 $0x2, s26;
	s31 =	sor.u32 $0x50, s31;
	v4 =	vand.u32 $0x7C, v8;
	v6 =	vshll.u32 v8, $0x3;
	v19 =	vor.u32 v1, v3;
	v18 =	vld [tilespmem:s0+$0x0];
	[tilespmem:v7+s16+$0x0] =	vst.idx.msk $0xffff, v5  }
.Ltmp0:
0x24: {  	v3 =	vand.u32 $0xC00, v6;
	v5 =	vmov s29;
	v7 =	vmov s26;
	s26 =	smov.u32 s28;
	[tilespmem:v11+s16+$0x0] =	vst.idx.msk $0xffff, v2;
	v2 =	vld [tilespmem:s30+$0x0];
	(pc) =	sbr.rel @p0 .LBB2_2-.Ltmp0, $4  }
0x25: {  	v6 =	vor.u32 v4, v3;
	v11 =	vand.u32 $0x7D, v5;
	v4 =	vshll.u32 v5, $0x3;
	v3 =	vld [tilespmem:s31+$0x0];
	[tilespmem:v14+s16+$0x0] =	vst.idx.msk $0xffff, v15  }
0x26: {  	v10 =	vand.u32 $0x7E, v7;
	v9 =	vor.u32 v0, v6;
	v5 =	vand.u32 $0xC00, v4;
	v8 =	vld [tilespmem:s24+$0xFFFFFFC0];
	[tilespmem:v12+s16+$0x0] =	vst.idx.msk $0xffff, v16  }
0x27: {  	s0 =	sadd.s32 $0x3, s28;
	v6 =	vor.u32 v1, v6;
	v14 =	vshll.u32 v7, $0x3;
	v11 =	vor.u32 v11, v5;
	v4 =	vld [tilespmem:s24+$0xFFFFFFD0];
	[tilespmem:v17+s16+$0x0] =	vst.idx.msk $0xffff, v13  }
0x28: {  	s28 =	sadd.s32 $0x4, s28;
	v12 =	vmov s0;
	v7 =	vor.u32 v0, v11;
	v13 =	vand.u32 $0xC00, v14;
	v5 =	vld [tilespmem:s24+$0xFFFFFFE0];
	[tilespmem:v19+s16+$0x0] =	vst.idx.msk $0xffff, v18  }
0x29: {  	_ = 	snop  }
0x2a: {  	v14 =	vshll.u32 v12, $0x3;
	v11 =	vor.u32 v1, v11;
	v10 =	vor.u32 v10, v13  }
0x2b: {  	v12 =	vand.u32 $0x7F, v12;
	v13 =	vand.u32 $0xC00, v14;
	v14 =	vor.u32 v0, v10  }
0x2c: {  	v15 =	vld [tilespmem:s24+$0x0];
	v10 =	vor.u32 v1, v10;
	v12 =	vor.u32 v12, v13;
	v13 =	vmov s26  }
0x2d: {  	s0 =	sadd.s32 $0x1, s26;
	s25 =	sadd.s32 $0x80, s25;
	s2 =	sadd.s32 $0x80, s24;
	[tilespmem:v9+s16+$0x0] =	vst.idx.msk $0xffff, v8;
	v8 =	vor.u32 v0, v12;
	v9 =	vand.u32 $0x7C, v13;
	v13 =	vshll.u32 v13, $0x3  }
0x2e: {  	s5 =	sadd.s32 $0x2, s26;
	v16 =	vld [tilespmem:s2+$0x20];
	s28 =	sor.u32 $0x70, s25;
	[tilespmem:v6+s16+$0x0] =	vst.idx.msk $0xffff, v4;
	v4 =	vor.u32 v1, v12;
	v12 =	vmov s0;
	v6 =	vand.u32 $0xC00, v13  }
0x2f: {  	v13 =	vld [tilespmem:s28+$0x0];
	[tilespmem:v7+s16+$0x0] =	vst.idx.msk $0xffff, v5;
	v5 =	vmov s5;
	v7 =	vshll.u32 v12, $0x3;
	v6 =	vor.u32 v9, v6  }
0x30: {  	[tilespmem:v11+s16+$0x0] =	vst.idx.msk $0xffff, v2;
	v2 =	vand.u32 $0x7D, v12;
	v9 =	vld [tilespmem:s2+$0xFFFFFFC0];
	v7 =	vand.u32 $0xC00, v7;
	v11 =	vor.u32 v0, v6  }
0x31: {  	s29 =	sadd.s32 $0xFFFFFFC0, s25;
	v12 =	vld [tilespmem:s2+$0xFFFFFFD0];
	[tilespmem:v14+s16+$0x0] =	vst.idx.msk $0xffff, v15;
	v6 =	vor.u32 v1, v6;
	v2 =	vor.u32 v2, v7;
	v7 =	vshll.u32 v5, $0x3  }
0x32: {  	s0 =	sor.u32 $0x30, s29;
	v5 =	vand.u32 $0x7E, v5;
	[tilespmem:v10+s16+$0x0] =	vst.idx.msk $0xffff, v3;
	v3 =	vld [tilespmem:s2+$0xFFFFFFE0];
	v10 =	vor.u32 v0, v2;
	v7 =	vand.u32 $0xC00, v7  }
0x33: {  	s25 =	sadd.s32 $0xFFFFFFE0, s25;
	v14 =	vld [tilespmem:s0+$0x0];
	v2 =	vor.u32 v1, v2;
	[tilespmem:v8+s16+$0x0] =	vst.idx.msk $0xffff, v16;
	v5 =	vor.u32 v5, v7  }
0x34: {  	s30 =	sor.u32 $0x50, s25;
	[tilespmem:v4+s16+$0x0] =	vst.idx.msk $0xffff, v13;
	v4 =	vld [tilespmem:s2+$0x0];
	v7 =	vor.u32 v0, v5  }
0x35: {  	v8 =	vld [tilespmem:s30+$0x0];
	v5 =	vor.u32 v1, v5;
	[tilespmem:v11+s16+$0x0] =	vst.idx.msk $0xffff, v9  }
0x36: {  	[tilespmem:v6+s16+$0x0] =	vst.idx.msk $0xffff, v12  }
0x37: {  	[tilespmem:v10+s16+$0x0] =	vst.idx.msk $0xffff, v3  }
0x38: {  	[tilespmem:v2+s16+$0x0] =	vst.idx.msk $0xffff, v14  }
0x39: {  	[tilespmem:v7+s16+$0x0] =	vst.idx.msk $0xffff, v4  }
0x3a: {  	s31 =	simm.s32 $0x3;
	[tilespmem:v5+s16+$0x0] =	vst.idx.msk $0xffff, v8  }
0x3b: {  	[hbm4b:s6+s17] =	stream.strided.scatter [tilespmem:s16], [sflag:$0x3], $0x4000, s18, s17, $0x38;
	[tilespmem:$0x10000] =	vst v63  }
0x3c: {  	v2 =	vmov s31;
	_ =	swait.ge [sflag:s19], $0x4000  }
0x3d: {  	s24 =	simm.s32 $0x4040;
	v3 =	vshll.u32 v2, $0x3;
	[sflag:s19] =	ssyncset.done $0x0  }
0x3e: {  	s25 =	simm.s32 $0x60;
	s2 =	simm.s32 $0x0;
	v2 =	vand.u32 $0x7F, v2;
	v3 =	vand.u32 $0xC00, v3;
	[sflag:s19] =	ssyncadd.s32 $0xFFFFC000  }
0x3f: {  	v2 =	vor.u32 v2, v3;
	[tilespmem:s2], [sflag:$0x1] =	stream.linear.gather [hbm4b:s8+s2], $0x4000, $0x38;
	[tilespmem:$0x10000] =	vst v63  }
0x40: {  	s29 =	simm.s32 $0x40;
	s28 =	sor.u32 $0x70, s25;
	s30 =	simm.s32 $0x20;
	v3 =	vmov s2;
	v7 =	vor.u32 v0, v2;
	v5 =	vld [tilespmem:s24+$0x20]  }
0x41: {  	s5 =	simm.s32 $0x1;
	s0 =	sor.u32 $0x30, s30;
	s30 =	simm.s32 $0x2;
	v4 =	vand.u32 $0x7C, v3;
	v3 =	vshll.u32 v3, $0x3;
	v15 =	vor.u32 v1, v2;
	v14 =	vld [tilespmem:s28+$0x4000]  }
0x42: {  	v6 =	vmov s5;
	v12 =	vmov s30;
	v3 =	vand.u32 $0xC00, v3;
	s28 =	sor.u32 $0x50, s29;
	v2 =	vld [tilespmem:s0+$0x4000]  }
0x43: {  	v13 =	vand.u32 $0x7D, v6;
	v11 =	vor.u32 v4, v3;
	v4 =	vshll.u32 v6, $0x3;
	v3 =	vld [tilespmem:s28+$0x4000]  }
0x44: {  	v10 =	vand.u32 $0x7E, v12;
	v9 =	vor.u32 v0, v11;
	v63 =	vand.u32 $0xC00, v4;
	v8 =	vld [tilespmem:s24+$0xFFFFFFC0]  }
0x45: {  	s31 =	simm.s32 $0x7;
	v6 =	vor.u32 v1, v11;
	v4 =	vld [tilespmem:s24+$0xFFFFFFD0];
	v11 =	vor.u32 v13, v63;
	v13 =	vshll.u32 v12, $0x3;
	[tilespmem:v7+s20+$0x0] =	vst.idx.msk $0xffff, v5  }
0x46: {  	s26 =	simm.s32 $0x4;
	v12 =	vmov s31;
	s28 =	simm.s32 $0x8;
	v13 =	vand.u32 $0xC00, v13;
	v5 =	vld [tilespmem:s24+$0xFFFFFFE0];
	v7 =	vor.u32 v0, v11;
	[tilespmem:v15+s20+$0x0] =	vst.idx.msk $0xffff, v14  }
.LBB2_4:
0x47: {  	p0 =	slt.u32 s28, $0x1FC;
	v14 =	vshll.u32 v12, $0x3;
	v11 =	vor.u32 v1, v11;
	v15 =	vld [tilespmem:s24+$0x0];
	v10 =	vor.u32 v10, v13  }
0x48: {  	v12 =	vand.u32 $0x7F, v12;
	v13 =	vand.u32 $0xC00, v14;
	v14 =	vor.u32 v0, v10;
	v16 =	vmovc v3  }
0x49: {  	s0 =	sadd.s32 $0x1, s26;
	s25 =	sadd.s32 $0x80, s25;
	s24 =	sadd.s32 $0x80, s24;
	v3 =	vor.u32 v12, v13;
	[tilespmem:v9+s20+$0x0] =	vst.idx.msk $0xffff, v8;
	v12 =	vor.u32 v1, v10  }
0x4a: {  	s29 =	sadd.s32 $0xFFFFFFC0, s25;
	s30 =	sadd.s32 $0xFFFFFFE0, s25;
	s31 =	sor.u32 $0x70, s25;
	v8 =	vmov s26;
	v13 =	vld [tilespmem:s24+$0x20];
	v17 =	vor.u32 v0, v3;
	[tilespmem:v6+s20+$0x0] =	vst.idx.msk $0xffff, v4  }
0x4b: {  	s29 =	sor.u32 $0x30, s29;
	s26 =	sadd.s32 $0x2, s26;
	s30 =	sor.u32 $0x50, s30;
	v4 =	vand.u32 $0x7C, v8;
	v6 =	vshll.u32 v8, $0x3;
	v19 =	vor.u32 v1, v3;
	v18 =	vld [tilespmem:s31+$0x4000];
	[tilespmem:v7+s20+$0x0] =	vst.idx.msk $0xffff, v5  }
.Ltmp1:
0x4c: {  	v3 =	vand.u32 $0xC00, v6;
	v5 =	vmov s0;
	v7 =	vmov s26;
	s26 =	smov.u32 s28;
	[tilespmem:v11+s20+$0x0] =	vst.idx.msk $0xffff, v2;
	v2 =	vld [tilespmem:s29+$0x4000];
	(pc) =	sbr.rel @p0 .LBB2_4-.Ltmp1, $4  }
0x4d: {  	v6 =	vor.u32 v4, v3;
	v11 =	vand.u32 $0x7D, v5;
	v4 =	vshll.u32 v5, $0x3;
	v3 =	vld [tilespmem:s30+$0x4000];
	[tilespmem:v14+s20+$0x0] =	vst.idx.msk $0xffff, v15  }
0x4e: {  	v10 =	vand.u32 $0x7E, v7;
	v9 =	vor.u32 v0, v6;
	v5 =	vand.u32 $0xC00, v4;
	v8 =	vld [tilespmem:s24+$0xFFFFFFC0];
	[tilespmem:v12+s20+$0x0] =	vst.idx.msk $0xffff, v16  }
0x4f: {  	s0 =	sadd.s32 $0x3, s28;
	v6 =	vor.u32 v1, v6;
	v14 =	vshll.u32 v7, $0x3;
	v11 =	vor.u32 v11, v5;
	v4 =	vld [tilespmem:s24+$0xFFFFFFD0];
	[tilespmem:v17+s20+$0x0] =	vst.idx.msk $0xffff, v13  }
0x50: {  	s28 =	sadd.s32 $0x4, s28;
	v12 =	vmov s0;
	v7 =	vor.u32 v0, v11;
	v13 =	vand.u32 $0xC00, v14;
	v5 =	vld [tilespmem:s24+$0xFFFFFFE0];
	[tilespmem:v19+s20+$0x0] =	vst.idx.msk $0xffff, v18  }
0x51: {  	_ = 	snop  }
0x52: {  	v14 =	vshll.u32 v12, $0x3;
	v11 =	vor.u32 v1, v11;
	v10 =	vor.u32 v10, v13  }
0x53: {  	v44 =	vand.u32 $0x7F, v12;
	v47 =	vmov s26;
	v45 =	vand.u32 $0xC00, v14  }
0x54: {  	v15 =	vld [tilespmem:s24+$0x0];
	s0 =	sadd.s32 $0x1, s26;
	v46 =	vor.u32 v0, v10;
	v10 =	vor.u32 v1, v10;
	v49 =	vand.u32 $0x7C, v47  }
0x55: {  	s25 =	sadd.s32 $0x80, s25;
	s5 =	sadd.s32 $0x80, s24;
	s29 =	sadd.s32 $0x2, s26;
	v13 =	vshll.u32 v47, $0x3;
	v52 =	vmov s0;
	v12 =	vor.u32 v44, v45;
	[tilespmem:v9+s20+$0x0] =	vst.idx.msk $0xffff, v8  }
0x56: {  	v16 =	vld [tilespmem:s5+$0x20];
	s28 =	sor.u32 $0x70, s25;
	v54 =	vmov s29;
	v51 =	vand.u32 $0xC00, v13;
	v48 =	vor.u32 v0, v12;
	[tilespmem:v6+s20+$0x0] =	vst.idx.msk $0xffff, v4  }
0x57: {  	v53 =	vld [tilespmem:s28+$0x4000];
	v55 =	vshll.u32 v52, $0x3;
	v50 =	vor.u32 v1, v12;
	v6 =	vor.u32 v49, v51;
	[tilespmem:v7+s20+$0x0] =	vst.idx.msk $0xffff, v5  }
0x58: {  	v56 =	vld [tilespmem:s5+$0xFFFFFFC0];
	v57 =	vor.u32 v0, v6;
	v7 =	vand.u32 $0xC00, v55;
	[tilespmem:v11+s20+$0x0] =	vst.idx.msk $0xffff, v2;
	v2 =	vand.u32 $0x7D, v52  }
0x59: {  	s30 =	sadd.s32 $0xFFFFFFC0, s25;
	v58 =	vld [tilespmem:s5+$0xFFFFFFD0];
	v59 =	vshll.u32 v54, $0x3;
	v6 =	vor.u32 v1, v6;
	[tilespmem:v46+s20+$0x0] =	vst.idx.msk $0xffff, v15;
	v2 =	vor.u32 v2, v7  }
0x5a: {  	s0 =	sor.u32 $0x30, s30;
	v5 =	vand.u32 $0x7E, v54;
	v7 =	vand.u32 $0xC00, v59;
	[tilespmem:v10+s20+$0x0] =	vst.idx.msk $0xffff, v3;
	v3 =	vld [tilespmem:s5+$0xFFFFFFE0];
	v60 =	vor.u32 v0, v2  }
0x5b: {  	s25 =	sadd.s32 $0xFFFFFFE0, s25;
	v61 =	vld [tilespmem:s0+$0x4000];
	v2 =	vor.u32 v1, v2;
	v5 =	vor.u32 v5, v7;
	[tilespmem:v48+s20+$0x0] =	vst.idx.msk $0xffff, v16  }
0x5c: {  	v62 =	vld [tilespmem:s5+$0x0];
	s31 =	sor.u32 $0x50, s25;
	v7 =	vor.u32 v0, v5;
	[tilespmem:v50+s20+$0x0] =	vst.idx.msk $0xffff, v53  }
0x5d: {  	v63 =	vld [tilespmem:s31+$0x4000];
	v5 =	vor.u32 v1, v5;
	[tilespmem:v57+s20+$0x0] =	vst.idx.msk $0xffff, v56  }
0x5e: {  	[tilespmem:v6+s20+$0x0] =	vst.idx.msk $0xffff, v58  }
0x5f: {  	[tilespmem:v60+s20+$0x0] =	vst.idx.msk $0xffff, v3  }
0x60: {  	[tilespmem:v2+s20+$0x0] =	vst.idx.msk $0xffff, v61  }
0x61: {  	[tilespmem:v7+s20+$0x0] =	vst.idx.msk $0xffff, v62  }
0x62: {  	s24 =	simm.s32 $0x1;
	[tilespmem:v5+s20+$0x0] =	vst.idx.msk $0xffff, v63  }
0x63: {  	[hbm4b:s9+s17] =	stream.strided.scatter [tilespmem:s20], [sflag:$0x4], $0x4000, s18, s17, $0x38;
	[tilespmem:$0x10000] =	vst v63  }
.LBB2_6:
0x64: {  	_ =	swait.ge [sflag:s14], $0x4000;
	s25 =	sshllo.u32 s24, $0x1  }
0x65: {  	s29 =	simm.s32 $0x0;
	[sflag:s14] =	ssyncset.done $0x0;
	s0 =	sshll.u32 s25, $0x10  }
0x66: {  	s26 =	simm.s32 $0x3;
	[sflag:s14] =	ssyncadd.s32 $0xFFFFC000;
	s0 =	sadd.s32 s0, s4  }
0x67: {  	v2 =	vmov s26;
	[tilespmem:s15], [sflag:$0x2] =	stream.linear.gather [hbm4b:s0+s29], $0x4000, $0x38;
	[tilespmem:$0x10000] =	vst v63  }
0x68: {  	v3 =	vshll.u32 v2, $0x3;
	_ =	swait.ge [sflag:s21], $0x4000  }
0x69: {  	v2 =	vand.u32 $0x7F, v2;
	v3 =	vand.u32 $0xC00, v3;
	[sflag:s21] =	ssyncset.done $0x0  }
0x6a: {  	s28 =	simm.s32 $0x60;
	s26 =	simm.s32 $0x40;
	v2 =	vor.u32 v2, v3;
	[sflag:s21] =	ssyncadd.s32 $0xFFFFC000  }
0x6b: {  	s5 =	simm.s32 $0x1;
	s30 =	sor.u32 $0x70, s28;
	v3 =	vmov s29;
	s29 =	simm.s32 $0x20;
	v7 =	vor.u32 v0, v2;
	v5 =	vld [tilespmem:s26+$0x20]  }
0x6c: {  	s31 =	simm.s32 $0x40;
	s2 =	simm.s32 $0x2;
	v4 =	vand.u32 $0x7C, v3;
	v3 =	vshll.u32 v3, $0x3;
	s29 =	sor.u32 $0x30, s29;
	v15 =	vor.u32 v1, v2;
	v14 =	vld [tilespmem:s30+$0x0]  }
0x6d: {  	v6 =	vmov s5;
	v12 =	vmov s2;
	v3 =	vand.u32 $0xC00, v3;
	s30 =	sor.u32 $0x50, s31;
	v2 =	vld [tilespmem:s29+$0x0]  }
0x6e: {  	v13 =	vand.u32 $0x7D, v6;
	v11 =	vor.u32 v4, v3;
	v4 =	vshll.u32 v6, $0x3;
	v3 =	vld [tilespmem:s30+$0x0]  }
0x6f: {  	v10 =	vand.u32 $0x7E, v12;
	v8 =	vld [tilespmem:s26+$0xFFFFFFC0];
	v9 =	vor.u32 v0, v11;
	v16 =	vand.u32 $0xC00, v4  }
0x70: {  	s31 =	simm.s32 $0x7;
	v4 =	vld [tilespmem:s26+$0xFFFFFFD0];
	v6 =	vor.u32 v1, v11;
	v11 =	vor.u32 v13, v16;
	v13 =	vshll.u32 v12, $0x3;
	[tilespmem:v7+s16+$0x0] =	vst.idx.msk $0xffff, v5  }
0x71: {  	s29 =	simm.s32 $0x4;
	s30 =	simm.s32 $0x8;
	v12 =	vmov s31;
	v13 =	vand.u32 $0xC00, v13;
	v5 =	vld [tilespmem:s26+$0xFFFFFFE0];
	v7 =	vor.u32 v0, v11;
	[tilespmem:v15+s16+$0x0] =	vst.idx.msk $0xffff, v14  }
.LBB2_7:
0x72: {  	p0 =	slt.u32 s30, $0x1FC;
	v14 =	vshll.u32 v12, $0x3;
	v11 =	vor.u32 v1, v11;
	v15 =	vld [tilespmem:s26+$0x0];
	v10 =	vor.u32 v10, v13  }
0x73: {  	v12 =	vand.u32 $0x7F, v12;
	v13 =	vand.u32 $0xC00, v14;
	v14 =	vor.u32 v0, v10;
	v16 =	vmovc v3  }
0x74: {  	s0 =	sadd.s32 $0x1, s29;
	s28 =	sadd.s32 $0x80, s28;
	s26 =	sadd.s32 $0x80, s26;
	v3 =	vor.u32 v12, v13;
	[tilespmem:v9+s16+$0x0] =	vst.idx.msk $0xffff, v8;
	v12 =	vor.u32 v1, v10  }
0x75: {  	s2 =	sadd.s32 $0xFFFFFFC0, s28;
	s31 =	sadd.s32 $0xFFFFFFE0, s28;
	s5 =	sor.u32 $0x70, s28;
	v8 =	vmov s29;
	v13 =	vld [tilespmem:s26+$0x20];
	v17 =	vor.u32 v0, v3;
	[tilespmem:v6+s16+$0x0] =	vst.idx.msk $0xffff, v4  }
0x76: {  	s2 =	sor.u32 $0x30, s2;
	s29 =	sadd.s32 $0x2, s29;
	s31 =	sor.u32 $0x50, s31;
	v4 =	vand.u32 $0x7C, v8;
	v6 =	vshll.u32 v8, $0x3;
	v19 =	vor.u32 v1, v3;
	v18 =	vld [tilespmem:s5+$0x0];
	[tilespmem:v7+s16+$0x0] =	vst.idx.msk $0xffff, v5  }
.Ltmp2:
0x77: {  	v3 =	vand.u32 $0xC00, v6;
	v5 =	vmov s0;
	v7 =	vmov s29;
	s29 =	smov.u32 s30;
	[tilespmem:v11+s16+$0x0] =	vst.idx.msk $0xffff, v2;
	v2 =	vld [tilespmem:s2+$0x0];
	(pc) =	sbr.rel @p0 .LBB2_7-.Ltmp2, $4  }
0x78: {  	v6 =	vor.u32 v4, v3;
	v11 =	vand.u32 $0x7D, v5;
	v4 =	vshll.u32 v5, $0x3;
	v3 =	vld [tilespmem:s31+$0x0];
	[tilespmem:v14+s16+$0x0] =	vst.idx.msk $0xffff, v15  }
0x79: {  	v10 =	vand.u32 $0x7E, v7;
	v9 =	vor.u32 v0, v6;
	v5 =	vand.u32 $0xC00, v4;
	v8 =	vld [tilespmem:s26+$0xFFFFFFC0];
	[tilespmem:v12+s16+$0x0] =	vst.idx.msk $0xffff, v16  }
0x7a: {  	s0 =	sadd.s32 $0x3, s30;
	v6 =	vor.u32 v1, v6;
	v14 =	vshll.u32 v7, $0x3;
	v11 =	vor.u32 v11, v5;
	v4 =	vld [tilespmem:s26+$0xFFFFFFD0];
	[tilespmem:v17+s16+$0x0] =	vst.idx.msk $0xffff, v13  }
0x7b: {  	s30 =	sadd.s32 $0x4, s30;
	v12 =	vmov s0;
	v7 =	vor.u32 v0, v11;
	v13 =	vand.u32 $0xC00, v14;
	v5 =	vld [tilespmem:s26+$0xFFFFFFE0];
	[tilespmem:v19+s16+$0x0] =	vst.idx.msk $0xffff, v18  }
0x7c: {  	_ = 	snop  }
0x7d: {  	v14 =	vshll.u32 v12, $0x3;
	v11 =	vor.u32 v1, v11;
	v10 =	vor.u32 v10, v13  }
0x7e: {  	v12 =	vand.u32 $0x7F, v12;
	v13 =	vand.u32 $0xC00, v14;
	v14 =	vor.u32 v0, v10  }
0x7f: {  	v15 =	vld [tilespmem:s26+$0x0];
	v10 =	vor.u32 v1, v10;
	v12 =	vor.u32 v12, v13;
	v13 =	vmov s29  }
0x80: {  	s0 =	sadd.s32 $0x1, s29;
	s2 =	sadd.s32 $0x80, s28;
	s5 =	sadd.s32 $0x80, s26;
	[tilespmem:v9+s16+$0x0] =	vst.idx.msk $0xffff, v8;
	v8 =	vor.u32 v0, v12;
	v9 =	vand.u32 $0x7C, v13;
	v13 =	vshll.u32 v13, $0x3  }
0x81: {  	s28 =	sadd.s32 $0x2, s29;
	v16 =	vld [tilespmem:s5+$0x20];
	s31 =	sor.u32 $0x70, s2;
	[tilespmem:v6+s16+$0x0] =	vst.idx.msk $0xffff, v4;
	v4 =	vor.u32 v1, v12;
	v12 =	vmov s0;
	v6 =	vand.u32 $0xC00, v13  }
0x82: {  	v13 =	vld [tilespmem:s31+$0x0];
	[tilespmem:v7+s16+$0x0] =	vst.idx.msk $0xffff, v5;
	v5 =	vmov s28;
	v7 =	vshll.u32 v12, $0x3;
	v6 =	vor.u32 v9, v6  }
0x83: {  	[tilespmem:v11+s16+$0x0] =	vst.idx.msk $0xffff, v2;
	v2 =	vand.u32 $0x7D, v12;
	v9 =	vld [tilespmem:s5+$0xFFFFFFC0];
	v7 =	vand.u32 $0xC00, v7;
	v11 =	vor.u32 v0, v6  }
0x84: {  	s31 =	sadd.s32 $0xFFFFFFC0, s2;
	v12 =	vld [tilespmem:s5+$0xFFFFFFD0];
	[tilespmem:v14+s16+$0x0] =	vst.idx.msk $0xffff, v15;
	v6 =	vor.u32 v1, v6;
	v2 =	vor.u32 v2, v7;
	v7 =	vshll.u32 v5, $0x3  }
0x85: {  	s0 =	sor.u32 $0x30, s31;
	v5 =	vand.u32 $0x7E, v5;
	[tilespmem:v10+s16+$0x0] =	vst.idx.msk $0xffff, v3;
	v3 =	vld [tilespmem:s5+$0xFFFFFFE0];
	v10 =	vor.u32 v0, v2;
	v7 =	vand.u32 $0xC00, v7  }
0x86: {  	s2 =	sadd.s32 $0xFFFFFFE0, s2;
	v14 =	vld [tilespmem:s0+$0x0];
	v2 =	vor.u32 v1, v2;
	[tilespmem:v8+s16+$0x0] =	vst.idx.msk $0xffff, v16;
	v5 =	vor.u32 v5, v7  }
0x87: {  	s2 =	sor.u32 $0x50, s2;
	[tilespmem:v4+s16+$0x0] =	vst.idx.msk $0xffff, v13;
	v4 =	vld [tilespmem:s5+$0x0];
	v7 =	vor.u32 v0, v5  }
0x88: {  	v8 =	vld [tilespmem:s2+$0x0];
	v5 =	vor.u32 v1, v5;
	[tilespmem:v11+s16+$0x0] =	vst.idx.msk $0xffff, v9  }
0x89: {  	[tilespmem:v6+s16+$0x0] =	vst.idx.msk $0xffff, v12  }
0x8a: {  	s5 =	sshll.u32 s24, $0x14;
	[tilespmem:v10+s16+$0x0] =	vst.idx.msk $0xffff, v3  }
0x8b: {  	s0 =	sor.u32 s7, s5;
	[tilespmem:v2+s16+$0x0] =	vst.idx.msk $0xffff, v14  }
0x8c: {  	s0 =	sshrl.u32 s0, $0x3;
	[tilespmem:v7+s16+$0x0] =	vst.idx.msk $0xffff, v4  }
0x8d: {  	s0 =	sadd.s32 s1, s0;
	[tilespmem:v5+s16+$0x0] =	vst.idx.msk $0xffff, v8  }
0x8e: {  	[hbm4b:s0+s17] =	stream.strided.scatter [tilespmem:s16], [sflag:$0x3], $0x4000, s18, s17, $0x38;
	[tilespmem:$0x10000] =	vst v63  }
0x8f: {  	_ =	swait.ge [sflag:s19], $0x4000  }
0x90: {  	s26 =	sshll.u32 s24, $0x11;
	s31 =	simm.s32 $0x3;
	[sflag:s19] =	ssyncset.done $0x0  }
0x91: {  	s2 =	simm.s32 $0x0;
	s0 =	sadd.s32 s26, s8;
	[sflag:s19] =	ssyncadd.s32 $0xFFFFC000  }
0x92: {  	v2 =	vmov s31;
	[tilespmem:s2], [sflag:$0x1] =	stream.linear.gather [hbm4b:s0+s2], $0x4000, $0x38;
	[tilespmem:$0x10000] =	vst v63  }
0x93: {  	v3 =	vshll.u32 v2, $0x3;
	_ =	swait.ge [sflag:s22], $0x4000  }
0x94: {  	v2 =	vand.u32 $0x7F, v2;
	v3 =	vand.u32 $0xC00, v3;
	[sflag:s22] =	ssyncset.done $0x0  }
0x95: {  	s28 =	simm.s32 $0x60;
	s26 =	simm.s32 $0x4040;
	v2 =	vor.u32 v2, v3;
	[sflag:s22] =	ssyncadd.s32 $0xFFFFC000  }
0x96: {  	s30 =	simm.s32 $0x2;
	s5 =	simm.s32 $0x20;
	s31 =	sor.u32 $0x70, s28;
	v3 =	vmov s2;
	v7 =	vor.u32 v0, v2;
	v5 =	vld [tilespmem:s26+$0x20]  }
0x97: {  	s29 =	simm.s32 $0x40;
	v4 =	vand.u32 $0x7C, v3;
	v3 =	vshll.u32 v3, $0x3;
	v15 =	vor.u32 v1, v2;
	s0 =	simm.s32 $0x1;
	s2 =	sor.u32 $0x30, s5;
	v14 =	vld [tilespmem:s31+$0x4000]  }
0x98: {  	v12 =	vmov s30;
	v3 =	vand.u32 $0xC00, v3;
	v6 =	vmov s0;
	s31 =	sor.u32 $0x50, s29;
	v2 =	vld [tilespmem:s2+$0x4000]  }
0x99: {  	v10 =	vand.u32 $0x7E, v12;
	v11 =	vor.u32 v4, v3;
	v4 =	vshll.u32 v6, $0x3;
	v3 =	vld [tilespmem:s31+$0x4000]  }
0x9a: {  	v9 =	vor.u32 v0, v11;
	v13 =	vand.u32 $0x7D, v6;
	v63 =	vand.u32 $0xC00, v4;
	v8 =	vld [tilespmem:s26+$0xFFFFFFC0]  }
0x9b: {  	v6 =	vor.u32 v1, v11;
	v4 =	vld [tilespmem:s26+$0xFFFFFFD0];
	v11 =	vor.u32 v13, v63;
	v13 =	vshll.u32 v12, $0x3;
	s31 =	simm.s32 $0x7;
	[tilespmem:v7+s20+$0x0] =	vst.idx.msk $0xffff, v5  }
0x9c: {  	s30 =	simm.s32 $0x8;
	s29 =	simm.s32 $0x4;
	v13 =	vand.u32 $0xC00, v13;
	v12 =	vmov s31;
	v5 =	vld [tilespmem:s26+$0xFFFFFFE0];
	v7 =	vor.u32 v0, v11;
	[tilespmem:v15+s20+$0x0] =	vst.idx.msk $0xffff, v14  }
.LBB2_9:
0x9d: {  	p0 =	slt.u32 s30, $0x1FC;
	v14 =	vshll.u32 v12, $0x3;
	v11 =	vor.u32 v1, v11;
	v15 =	vld [tilespmem:s26+$0x0];
	v10 =	vor.u32 v10, v13  }
0x9e: {  	v12 =	vand.u32 $0x7F, v12;
	v13 =	vand.u32 $0xC00, v14;
	v14 =	vor.u32 v0, v10;
	v16 =	vmovc v3  }
0x9f: {  	s0 =	sadd.s32 $0x1, s29;
	s28 =	sadd.s32 $0x80, s28;
	s26 =	sadd.s32 $0x80, s26;
	v3 =	vor.u32 v12, v13;
	[tilespmem:v9+s20+$0x0] =	vst.idx.msk $0xffff, v8;
	v12 =	vor.u32 v1, v10  }
0xa0: {  	s2 =	sadd.s32 $0xFFFFFFC0, s28;
	s5 =	sadd.s32 $0xFFFFFFE0, s28;
	s31 =	sor.u32 $0x70, s28;
	v8 =	vmov s29;
	v13 =	vld [tilespmem:s26+$0x20];
	v17 =	vor.u32 v0, v3;
	[tilespmem:v6+s20+$0x0] =	vst.idx.msk $0xffff, v4  }
0xa1: {  	s2 =	sor.u32 $0x30, s2;
	s29 =	sadd.s32 $0x2, s29;
	s5 =	sor.u32 $0x50, s5;
	v4 =	vand.u32 $0x7C, v8;
	v6 =	vshll.u32 v8, $0x3;
	v19 =	vor.u32 v1, v3;
	v18 =	vld [tilespmem:s31+$0x4000];
	[tilespmem:v7+s20+$0x0] =	vst.idx.msk $0xffff, v5  }
.Ltmp3:
0xa2: {  	v3 =	vand.u32 $0xC00, v6;
	v5 =	vmov s0;
	v7 =	vmov s29;
	s29 =	smov.u32 s30;
	[tilespmem:v11+s20+$0x0] =	vst.idx.msk $0xffff, v2;
	v2 =	vld [tilespmem:s2+$0x4000];
	(pc) =	sbr.rel @p0 .LBB2_9-.Ltmp3, $4  }
0xa3: {  	v6 =	vor.u32 v4, v3;
	v11 =	vand.u32 $0x7D, v5;
	v4 =	vshll.u32 v5, $0x3;
	v3 =	vld [tilespmem:s5+$0x4000];
	[tilespmem:v14+s20+$0x0] =	vst.idx.msk $0xffff, v15  }
0xa4: {  	v10 =	vand.u32 $0x7E, v7;
	v9 =	vor.u32 v0, v6;
	v5 =	vand.u32 $0xC00, v4;
	v8 =	vld [tilespmem:s26+$0xFFFFFFC0];
	[tilespmem:v12+s20+$0x0] =	vst.idx.msk $0xffff, v16  }
0xa5: {  	s0 =	sadd.s32 $0x3, s30;
	v6 =	vor.u32 v1, v6;
	v14 =	vshll.u32 v7, $0x3;
	v11 =	vor.u32 v11, v5;
	v4 =	vld [tilespmem:s26+$0xFFFFFFD0];
	[tilespmem:v17+s20+$0x0] =	vst.idx.msk $0xffff, v13  }
0xa6: {  	s30 =	sadd.s32 $0x4, s30;
	v12 =	vmov s0;
	v7 =	vor.u32 v0, v11;
	v13 =	vand.u32 $0xC00, v14;
	v5 =	vld [tilespmem:s26+$0xFFFFFFE0];
	[tilespmem:v19+s20+$0x0] =	vst.idx.msk $0xffff, v18  }
0xa7: {  	_ = 	snop  }
0xa8: {  	v14 =	vshll.u32 v12, $0x3;
	v11 =	vor.u32 v1, v11;
	v10 =	vor.u32 v10, v13  }
0xa9: {  	v44 =	vand.u32 $0x7F, v12;
	v47 =	vmov s29;
	v45 =	vand.u32 $0xC00, v14  }
0xaa: {  	v15 =	vld [tilespmem:s26+$0x0];
	s0 =	sadd.s32 $0x1, s29;
	v46 =	vor.u32 v0, v10;
	v10 =	vor.u32 v1, v10;
	v49 =	vand.u32 $0x7C, v47  }
0xab: {  	s2 =	sadd.s32 $0x80, s28;
	s5 =	sadd.s32 $0x80, s26;
	s31 =	sadd.s32 $0x2, s29;
	v13 =	vshll.u32 v47, $0x3;
	v52 =	vmov s0;
	v12 =	vor.u32 v44, v45;
	[tilespmem:v9+s20+$0x0] =	vst.idx.msk $0xffff, v8  }
0xac: {  	v16 =	vld [tilespmem:s5+$0x20];
	s30 =	sor.u32 $0x70, s2;
	v54 =	vmov s31;
	v51 =	vand.u32 $0xC00, v13;
	v48 =	vor.u32 v0, v12;
	[tilespmem:v6+s20+$0x0] =	vst.idx.msk $0xffff, v4  }
0xad: {  	v53 =	vld [tilespmem:s30+$0x4000];
	v55 =	vshll.u32 v52, $0x3;
	v50 =	vor.u32 v1, v12;
	v6 =	vor.u32 v49, v51;
	[tilespmem:v7+s20+$0x0] =	vst.idx.msk $0xffff, v5  }
0xae: {  	v56 =	vld [tilespmem:s5+$0xFFFFFFC0];
	v57 =	vor.u32 v0, v6;
	v7 =	vand.u32 $0xC00, v55;
	[tilespmem:v11+s20+$0x0] =	vst.idx.msk $0xffff, v2;
	v2 =	vand.u32 $0x7D, v52  }
0xaf: {  	s29 =	sadd.s32 $0xFFFFFFC0, s2;
	v58 =	vld [tilespmem:s5+$0xFFFFFFD0];
	v59 =	vshll.u32 v54, $0x3;
	v6 =	vor.u32 v1, v6;
	[tilespmem:v46+s20+$0x0] =	vst.idx.msk $0xffff, v15;
	v2 =	vor.u32 v2, v7  }
0xb0: {  	s0 =	sor.u32 $0x30, s29;
	v5 =	vand.u32 $0x7E, v54;
	v7 =	vand.u32 $0xC00, v59;
	[tilespmem:v10+s20+$0x0] =	vst.idx.msk $0xffff, v3;
	v3 =	vld [tilespmem:s5+$0xFFFFFFE0];
	v60 =	vor.u32 v0, v2  }
0xb1: {  	s2 =	sadd.s32 $0xFFFFFFE0, s2;
	v61 =	vld [tilespmem:s0+$0x4000];
	v2 =	vor.u32 v1, v2;
	v5 =	vor.u32 v5, v7;
	[tilespmem:v48+s20+$0x0] =	vst.idx.msk $0xffff, v16  }
0xb2: {  	v62 =	vld [tilespmem:s5+$0x0];
	s30 =	sor.u32 $0x50, s2;
	v7 =	vor.u32 v0, v5;
	[tilespmem:v50+s20+$0x0] =	vst.idx.msk $0xffff, v53  }
0xb3: {  	s24 =	sadd.s32 $0x1, s24;
	v63 =	vld [tilespmem:s30+$0x4000];
	v5 =	vor.u32 v1, v5;
	[tilespmem:v57+s20+$0x0] =	vst.idx.msk $0xffff, v56  }
0xb4: {  	p0 =	sne.s32 s24, $0x63;
	[tilespmem:v6+s20+$0x0] =	vst.idx.msk $0xffff, v58  }
.Ltmp4:
0xb5: {  	s31 =	sshll.u32 s25, $0x13;
	[tilespmem:v60+s20+$0x0] =	vst.idx.msk $0xffff, v3;
	(pc) =	sbr.rel @p0 .LBB2_6-.Ltmp4, $4  }
0xb6: {  	s0 =	sor.u32 s7, s31;
	[tilespmem:v2+s20+$0x0] =	vst.idx.msk $0xffff, v61  }
0xb7: {  	s0 =	sshrl.u32 s0, $0x3;
	[tilespmem:v7+s20+$0x0] =	vst.idx.msk $0xffff, v62  }
0xb8: {  	s0 =	sadd.s32 s1, s0;
	[tilespmem:v5+s20+$0x0] =	vst.idx.msk $0xffff, v63  }
0xb9: {  	[hbm4b:s0+s17] =	stream.strided.scatter [tilespmem:s20], [sflag:$0x4], $0x4000, s18, s17, $0x38;
	[tilespmem:$0x10000] =	vst v63  }
0xba: {  	_ =	swait.ge [sflag:s14], $0x4000  }
0xbb: {  	[sflag:s14] =	ssyncset.done $0x0  }
0xbc: {  	s0 =	simm.s32 $0x0;
	s2 =	simm.s32 $0x3;
	[sflag:s14] =	ssyncadd.s32 $0xFFFFC000  }
0xbd: {  	v2 =	vmov s2;
	[tilespmem:s15], [sflag:$0x2] =	stream.linear.gather [hbm4b:s10+s0], $0x4000, $0x38;
	[tilespmem:$0x10000] =	vst v63  }
0xbe: {  	v3 =	vshll.u32 v2, $0x3;
	_ =	swait.ge [sflag:s21], $0x4000  }
0xbf: {  	v2 =	vand.u32 $0x7F, v2;
	v3 =	vand.u32 $0xC00, v3;
	[sflag:s21] =	ssyncset.done $0x0  }
0xc0: {  	s25 =	simm.s32 $0x60;
	s24 =	simm.s32 $0x40;
	v2 =	vor.u32 v2, v3;
	[sflag:s21] =	ssyncadd.s32 $0xFFFFC000  }
0xc1: {  	s31 =	simm.s32 $0x1;
	s29 =	simm.s32 $0x20;
	s5 =	sor.u32 $0x70, s25;
	v3 =	vmov s0;
	v7 =	vor.u32 v0, v2;
	v5 =	vld [tilespmem:s24+$0x20]  }
0xc2: {  	s26 =	simm.s32 $0x40;
	s28 =	simm.s32 $0x2;
	s0 =	sor.u32 $0x30, s29;
	v4 =	vand.u32 $0x7C, v3;
	v3 =	vshll.u32 v3, $0x3;
	v15 =	vor.u32 v1, v2;
	v14 =	vld [tilespmem:s5+$0x0]  }
0xc3: {  	s30 =	sor.u32 $0x50, s26;
	v6 =	vmov s31;
	v12 =	vmov s28;
	v3 =	vand.u32 $0xC00, v3;
	v2 =	vld [tilespmem:s0+$0x0]  }
0xc4: {  	v13 =	vand.u32 $0x7D, v6;
	v11 =	vor.u32 v4, v3;
	v4 =	vshll.u32 v6, $0x3;
	v3 =	vld [tilespmem:s30+$0x0]  }
0xc5: {  	v10 =	vand.u32 $0x7E, v12;
	v8 =	vld [tilespmem:s24+$0xFFFFFFC0];
	v9 =	vor.u32 v0, v11;
	v16 =	vand.u32 $0xC00, v4  }
0xc6: {  	s31 =	simm.s32 $0x7;
	v4 =	vld [tilespmem:s24+$0xFFFFFFD0];
	v6 =	vor.u32 v1, v11;
	v11 =	vor.u32 v13, v16;
	v13 =	vshll.u32 v12, $0x3;
	[tilespmem:v7+s16+$0x0] =	vst.idx.msk $0xffff, v5  }
0xc7: {  	s26 =	simm.s32 $0x4;
	s28 =	simm.s32 $0x8;
	v12 =	vmov s31;
	v13 =	vand.u32 $0xC00, v13;
	v5 =	vld [tilespmem:s24+$0xFFFFFFE0];
	v7 =	vor.u32 v0, v11;
	[tilespmem:v15+s16+$0x0] =	vst.idx.msk $0xffff, v14  }
.LBB2_12:
0xc8: {  	p0 =	slt.u32 s28, $0x1FC;
	v14 =	vshll.u32 v12, $0x3;
	v11 =	vor.u32 v1, v11;
	v15 =	vld [tilespmem:s24+$0x0];
	v10 =	vor.u32 v10, v13  }
0xc9: {  	v12 =	vand.u32 $0x7F, v12;
	v13 =	vand.u32 $0xC00, v14;
	v14 =	vor.u32 v0, v10;
	v16 =	vmovc v3  }
0xca: {  	s0 =	sadd.s32 $0x1, s26;
	s25 =	sadd.s32 $0x80, s25;
	s24 =	sadd.s32 $0x80, s24;
	v3 =	vor.u32 v12, v13;
	[tilespmem:v9+s16+$0x0] =	vst.idx.msk $0xffff, v8;
	v12 =	vor.u32 v1, v10  }
0xcb: {  	s2 =	sadd.s32 $0xFFFFFFC0, s25;
	s5 =	sadd.s32 $0xFFFFFFE0, s25;
	s29 =	sor.u32 $0x70, s25;
	v8 =	vmov s26;
	v13 =	vld [tilespmem:s24+$0x20];
	v17 =	vor.u32 v0, v3;
	[tilespmem:v6+s16+$0x0] =	vst.idx.msk $0xffff, v4  }
0xcc: {  	s2 =	sor.u32 $0x30, s2;
	s26 =	sadd.s32 $0x2, s26;
	s5 =	sor.u32 $0x50, s5;
	v4 =	vand.u32 $0x7C, v8;
	v6 =	vshll.u32 v8, $0x3;
	v19 =	vor.u32 v1, v3;
	v18 =	vld [tilespmem:s29+$0x0];
	[tilespmem:v7+s16+$0x0] =	vst.idx.msk $0xffff, v5  }
.Ltmp5:
0xcd: {  	v3 =	vand.u32 $0xC00, v6;
	v5 =	vmov s0;
	v7 =	vmov s26;
	s26 =	smov.u32 s28;
	[tilespmem:v11+s16+$0x0] =	vst.idx.msk $0xffff, v2;
	v2 =	vld [tilespmem:s2+$0x0];
	(pc) =	sbr.rel @p0 .LBB2_12-.Ltmp5, $4  }
0xce: {  	v6 =	vor.u32 v4, v3;
	v11 =	vand.u32 $0x7D, v5;
	v4 =	vshll.u32 v5, $0x3;
	v3 =	vld [tilespmem:s5+$0x0];
	[tilespmem:v14+s16+$0x0] =	vst.idx.msk $0xffff, v15  }
0xcf: {  	v10 =	vand.u32 $0x7E, v7;
	v9 =	vor.u32 v0, v6;
	v5 =	vand.u32 $0xC00, v4;
	v8 =	vld [tilespmem:s24+$0xFFFFFFC0];
	[tilespmem:v12+s16+$0x0] =	vst.idx.msk $0xffff, v16  }
0xd0: {  	s0 =	sadd.s32 $0x3, s28;
	v6 =	vor.u32 v1, v6;
	v14 =	vshll.u32 v7, $0x3;
	v11 =	vor.u32 v11, v5;
	v4 =	vld [tilespmem:s24+$0xFFFFFFD0];
	[tilespmem:v17+s16+$0x0] =	vst.idx.msk $0xffff, v13  }
0xd1: {  	s28 =	sadd.s32 $0x4, s28;
	v12 =	vmov s0;
	v7 =	vor.u32 v0, v11;
	v13 =	vand.u32 $0xC00, v14;
	v5 =	vld [tilespmem:s24+$0xFFFFFFE0];
	[tilespmem:v19+s16+$0x0] =	vst.idx.msk $0xffff, v18  }
0xd2: {  	_ = 	snop  }
0xd3: {  	v14 =	vshll.u32 v12, $0x3;
	v11 =	vor.u32 v1, v11;
	v10 =	vor.u32 v10, v13  }
0xd4: {  	v12 =	vand.u32 $0x7F, v12;
	v13 =	vand.u32 $0xC00, v14;
	v14 =	vor.u32 v0, v10  }
0xd5: {  	v15 =	vld [tilespmem:s24+$0x0];
	v10 =	vor.u32 v1, v10;
	v12 =	vor.u32 v12, v13;
	v13 =	vmov s26  }
0xd6: {  	s0 =	sadd.s32 $0x1, s26;
	s2 =	sadd.s32 $0x80, s25;
	s5 =	sadd.s32 $0x80, s24;
	[tilespmem:v9+s16+$0x0] =	vst.idx.msk $0xffff, v8;
	v8 =	vor.u32 v0, v12;
	v9 =	vand.u32 $0x7C, v13;
	v13 =	vshll.u32 v13, $0x3  }
0xd7: {  	s31 =	sadd.s32 $0x2, s26;
	v16 =	vld [tilespmem:s5+$0x20];
	s30 =	sor.u32 $0x70, s2;
	[tilespmem:v6+s16+$0x0] =	vst.idx.msk $0xffff, v4;
	v4 =	vor.u32 v1, v12;
	v12 =	vmov s0;
	v6 =	vand.u32 $0xC00, v13  }
0xd8: {  	v13 =	vld [tilespmem:s30+$0x0];
	[tilespmem:v7+s16+$0x0] =	vst.idx.msk $0xffff, v5;
	v5 =	vmov s31;
	v7 =	vshll.u32 v12, $0x3;
	v6 =	vor.u32 v9, v6  }
0xd9: {  	[tilespmem:v11+s16+$0x0] =	vst.idx.msk $0xffff, v2;
	v2 =	vand.u32 $0x7D, v12;
	v9 =	vld [tilespmem:s5+$0xFFFFFFC0];
	v7 =	vand.u32 $0xC00, v7;
	v11 =	vor.u32 v0, v6  }
0xda: {  	s25 =	sadd.s32 $0xFFFFFFC0, s2;
	v12 =	vld [tilespmem:s5+$0xFFFFFFD0];
	[tilespmem:v14+s16+$0x0] =	vst.idx.msk $0xffff, v15;
	v6 =	vor.u32 v1, v6;
	v2 =	vor.u32 v2, v7;
	v7 =	vshll.u32 v5, $0x3  }
0xdb: {  	s0 =	sor.u32 $0x30, s25;
	v5 =	vand.u32 $0x7E, v5;
	[tilespmem:v10+s16+$0x0] =	vst.idx.msk $0xffff, v3;
	v3 =	vld [tilespmem:s5+$0xFFFFFFE0];
	v10 =	vor.u32 v0, v2;
	v7 =	vand.u32 $0xC00, v7  }
0xdc: {  	s2 =	sadd.s32 $0xFFFFFFE0, s2;
	v14 =	vld [tilespmem:s0+$0x0];
	v2 =	vor.u32 v1, v2;
	[tilespmem:v8+s16+$0x0] =	vst.idx.msk $0xffff, v16;
	v5 =	vor.u32 v5, v7  }
0xdd: {  	s26 =	sor.u32 $0x50, s2;
	[tilespmem:v4+s16+$0x0] =	vst.idx.msk $0xffff, v13;
	v4 =	vld [tilespmem:s5+$0x0];
	v7 =	vor.u32 v0, v5  }
0xde: {  	v8 =	vld [tilespmem:s26+$0x0];
	v5 =	vor.u32 v1, v5;
	[tilespmem:v11+s16+$0x0] =	vst.idx.msk $0xffff, v9  }
0xdf: {  	[tilespmem:v6+s16+$0x0] =	vst.idx.msk $0xffff, v12  }
0xe0: {  	[tilespmem:v10+s16+$0x0] =	vst.idx.msk $0xffff, v3  }
0xe1: {  	[tilespmem:v2+s16+$0x0] =	vst.idx.msk $0xffff, v14  }
0xe2: {  	[tilespmem:v7+s16+$0x0] =	vst.idx.msk $0xffff, v4  }
0xe3: {  	[tilespmem:v5+s16+$0x0] =	vst.idx.msk $0xffff, v8  }
0xe4: {  	[hbm4b:s11+s17] =	stream.strided.scatter [tilespmem:s16], [sflag:$0x3], $0x4000, s18, s17, $0x38;
	[tilespmem:$0x10000] =	vst v63  }
0xe5: {  	_ =	swait.ge [sflag:s19], $0x4000  }
0xe6: {  	s29 =	simm.s32 $0x3;
	[sflag:s19] =	ssyncset.done $0x0  }
0xe7: {  	v2 =	vmov s29;
	[sflag:s19] =	ssyncadd.s32 $0xFFFFC000  }
0xe8: {  	v3 =	vshll.u32 v2, $0x3;
	_ =	swait.ge [sflag:s22], $0x4000  }
0xe9: {  	s24 =	simm.s32 $0x4040;
	v2 =	vand.u32 $0x7F, v2;
	v3 =	vand.u32 $0xC00, v3;
	[sflag:s22] =	ssyncset.done $0x0  }
0xea: {  	s25 =	simm.s32 $0x60;
	s30 =	simm.s32 $0x0;
	v2 =	vor.u32 v2, v3;
	[sflag:s22] =	ssyncadd.s32 $0xFFFFC000  }
0xeb: {  	s28 =	simm.s32 $0x2;
	s26 =	sor.u32 $0x70, s25;
	s5 =	simm.s32 $0x20;
	v3 =	vmov s30;
	v7 =	vor.u32 v0, v2;
	v5 =	vld [tilespmem:s24+$0x20]  }
0xec: {  	s31 =	simm.s32 $0x1;
	s0 =	sor.u32 $0x30, s5;
	s29 =	simm.s32 $0x40;
	v4 =	vand.u32 $0x7C, v3;
	v3 =	vshll.u32 v3, $0x3;
	v15 =	vor.u32 v1, v2;
	v14 =	vld [tilespmem:s26+$0x4000]  }
0xed: {  	v6 =	vmov s31;
	v12 =	vmov s28;
	s30 =	sor.u32 $0x50, s29;
	v3 =	vand.u32 $0xC00, v3;
	v2 =	vld [tilespmem:s0+$0x4000]  }
0xee: {  	v13 =	vand.u32 $0x7D, v6;
	v11 =	vor.u32 v4, v3;
	v4 =	vshll.u32 v6, $0x3;
	v3 =	vld [tilespmem:s30+$0x4000]  }
0xef: {  	v10 =	vand.u32 $0x7E, v12;
	v9 =	vor.u32 v0, v11;
	v63 =	vand.u32 $0xC00, v4;
	v8 =	vld [tilespmem:s24+$0xFFFFFFC0]  }
0xf0: {  	s31 =	simm.s32 $0x7;
	v6 =	vor.u32 v1, v11;
	v11 =	vor.u32 v13, v63;
	v13 =	vshll.u32 v12, $0x3;
	v4 =	vld [tilespmem:s24+$0xFFFFFFD0];
	[tilespmem:v7+s20+$0x0] =	vst.idx.msk $0xffff, v5  }
0xf1: {  	s28 =	simm.s32 $0x8;
	v12 =	vmov s31;
	v13 =	vand.u32 $0xC00, v13;
	s26 =	simm.s32 $0x4;
	v5 =	vld [tilespmem:s24+$0xFFFFFFE0];
	v7 =	vor.u32 v0, v11;
	[tilespmem:v15+s20+$0x0] =	vst.idx.msk $0xffff, v14  }
.LBB2_14:
0xf2: {  	p0 =	slt.u32 s28, $0x1FC;
	v14 =	vshll.u32 v12, $0x3;
	v11 =	vor.u32 v1, v11;
	v15 =	vld [tilespmem:s24+$0x0];
	v10 =	vor.u32 v10, v13  }
0xf3: {  	v12 =	vand.u32 $0x7F, v12;
	v13 =	vand.u32 $0xC00, v14;
	v14 =	vor.u32 v0, v10;
	v16 =	vmovc v3  }
0xf4: {  	s0 =	sadd.s32 $0x1, s26;
	s25 =	sadd.s32 $0x80, s25;
	s24 =	sadd.s32 $0x80, s24;
	v3 =	vor.u32 v12, v13;
	[tilespmem:v9+s20+$0x0] =	vst.idx.msk $0xffff, v8;
	v12 =	vor.u32 v1, v10  }
0xf5: {  	s2 =	sadd.s32 $0xFFFFFFC0, s25;
	s5 =	sadd.s32 $0xFFFFFFE0, s25;
	s29 =	sor.u32 $0x70, s25;
	v8 =	vmov s26;
	v13 =	vld [tilespmem:s24+$0x20];
	v17 =	vor.u32 v0, v3;
	[tilespmem:v6+s20+$0x0] =	vst.idx.msk $0xffff, v4  }
0xf6: {  	s2 =	sor.u32 $0x30, s2;
	s26 =	sadd.s32 $0x2, s26;
	s5 =	sor.u32 $0x50, s5;
	v4 =	vand.u32 $0x7C, v8;
	v6 =	vshll.u32 v8, $0x3;
	v19 =	vor.u32 v1, v3;
	v18 =	vld [tilespmem:s29+$0x4000];
	[tilespmem:v7+s20+$0x0] =	vst.idx.msk $0xffff, v5  }
.Ltmp6:
0xf7: {  	v3 =	vand.u32 $0xC00, v6;
	v5 =	vmov s0;
	v7 =	vmov s26;
	s26 =	smov.u32 s28;
	[tilespmem:v11+s20+$0x0] =	vst.idx.msk $0xffff, v2;
	v2 =	vld [tilespmem:s2+$0x4000];
	(pc) =	sbr.rel @p0 .LBB2_14-.Ltmp6, $4  }
0xf8: {  	v6 =	vor.u32 v4, v3;
	v11 =	vand.u32 $0x7D, v5;
	v4 =	vshll.u32 v5, $0x3;
	v3 =	vld [tilespmem:s5+$0x4000];
	[tilespmem:v14+s20+$0x0] =	vst.idx.msk $0xffff, v15  }
0xf9: {  	v10 =	vand.u32 $0x7E, v7;
	v9 =	vor.u32 v0, v6;
	v5 =	vand.u32 $0xC00, v4;
	v8 =	vld [tilespmem:s24+$0xFFFFFFC0];
	[tilespmem:v12+s20+$0x0] =	vst.idx.msk $0xffff, v16  }
0xfa: {  	s0 =	sadd.s32 $0x3, s28;
	v6 =	vor.u32 v1, v6;
	v14 =	vshll.u32 v7, $0x3;
	v11 =	vor.u32 v11, v5;
	v4 =	vld [tilespmem:s24+$0xFFFFFFD0];
	[tilespmem:v17+s20+$0x0] =	vst.idx.msk $0xffff, v13  }
0xfb: {  	s28 =	sadd.s32 $0x4, s28;
	v12 =	vmov s0;
	v7 =	vor.u32 v0, v11;
	v13 =	vand.u32 $0xC00, v14;
	v5 =	vld [tilespmem:s24+$0xFFFFFFE0];
	[tilespmem:v19+s20+$0x0] =	vst.idx.msk $0xffff, v18  }
0xfc: {  	_ = 	snop  }
0xfd: {  	v14 =	vshll.u32 v12, $0x3;
	v11 =	vor.u32 v1, v11;
	v10 =	vor.u32 v10, v13  }
0xfe: {  	v44 =	vand.u32 $0x7F, v12;
	v47 =	vmov s26;
	v45 =	vand.u32 $0xC00, v14  }
0xff: {  	v15 =	vld [tilespmem:s24+$0x0];
	s0 =	sadd.s32 $0x1, s26;
	v46 =	vor.u32 v0, v10;
	v10 =	vor.u32 v1, v10;
	v49 =	vand.u32 $0x7C, v47  }
0x100: {  	s2 =	sadd.s32 $0x80, s25;
	s5 =	sadd.s32 $0x80, s24;
	s29 =	sadd.s32 $0x2, s26;
	v13 =	vshll.u32 v47, $0x3;
	v52 =	vmov s0;
	v12 =	vor.u32 v44, v45;
	[tilespmem:v9+s20+$0x0] =	vst.idx.msk $0xffff, v8  }
0x101: {  	v16 =	vld [tilespmem:s5+$0x20];
	s28 =	sor.u32 $0x70, s2;
	v54 =	vmov s29;
	v51 =	vand.u32 $0xC00, v13;
	v48 =	vor.u32 v0, v12;
	[tilespmem:v6+s20+$0x0] =	vst.idx.msk $0xffff, v4  }
0x102: {  	v53 =	vld [tilespmem:s28+$0x4000];
	v55 =	vshll.u32 v52, $0x3;
	v50 =	vor.u32 v1, v12;
	v6 =	vor.u32 v49, v51;
	[tilespmem:v7+s20+$0x0] =	vst.idx.msk $0xffff, v5  }
0x103: {  	v56 =	vld [tilespmem:s5+$0xFFFFFFC0];
	v57 =	vor.u32 v0, v6;
	v7 =	vand.u32 $0xC00, v55;
	[tilespmem:v11+s20+$0x0] =	vst.idx.msk $0xffff, v2;
	v2 =	vand.u32 $0x7D, v52  }
0x104: {  	s30 =	sadd.s32 $0xFFFFFFC0, s2;
	v58 =	vld [tilespmem:s5+$0xFFFFFFD0];
	v59 =	vshll.u32 v54, $0x3;
	v6 =	vor.u32 v1, v6;
	[tilespmem:v46+s20+$0x0] =	vst.idx.msk $0xffff, v15;
	v2 =	vor.u32 v2, v7  }
0x105: {  	s0 =	sor.u32 $0x30, s30;
	v5 =	vand.u32 $0x7E, v54;
	v7 =	vand.u32 $0xC00, v59;
	[tilespmem:v10+s20+$0x0] =	vst.idx.msk $0xffff, v3;
	v3 =	vld [tilespmem:s5+$0xFFFFFFE0];
	v60 =	vor.u32 v0, v2  }
0x106: {  	s2 =	sadd.s32 $0xFFFFFFE0, s2;
	v61 =	vld [tilespmem:s0+$0x4000];
	v2 =	vor.u32 v1, v2;
	v5 =	vor.u32 v5, v7;
	[tilespmem:v48+s20+$0x0] =	vst.idx.msk $0xffff, v16  }
0x107: {  	v62 =	vld [tilespmem:s5+$0x0];
	s31 =	sor.u32 $0x50, s2;
	v7 =	vor.u32 v0, v5;
	[tilespmem:v50+s20+$0x0] =	vst.idx.msk $0xffff, v53  }
0x108: {  	v63 =	vld [tilespmem:s31+$0x4000];
	v5 =	vor.u32 v1, v5;
	[tilespmem:v57+s20+$0x0] =	vst.idx.msk $0xffff, v56  }
0x109: {  	[tilespmem:v6+s20+$0x0] =	vst.idx.msk $0xffff, v58  }
0x10a: {  	[tilespmem:v60+s20+$0x0] =	vst.idx.msk $0xffff, v3  }
0x10b: {  	[tilespmem:v2+s20+$0x0] =	vst.idx.msk $0xffff, v61  }
0x10c: {  	[tilespmem:v7+s20+$0x0] =	vst.idx.msk $0xffff, v62  }
0x10d: {  	s23 =	sadd.s32 $0x1, s23;
	[tilespmem:v5+s20+$0x0] =	vst.idx.msk $0xffff, v63  }
0x10e: {  	[hbm4b:s12+s17] =	stream.strided.scatter [tilespmem:s20], [sflag:$0x4], $0x4000, s18, s17, $0x38;
	[tilespmem:$0x10000] =	vst v63  }
0x10f: {  	p0 =	sne.s32 s23, s13;
	_ =	swait.ge [sflag:s21], $0x4000  }
.Ltmp7:
0x110: {  	[sflag:s21] =	ssyncset.done $0x0;
	(pc) =	sbr.rel @p0 .LBB2_1-.Ltmp7, $4  }
0x111: {  	[sflag:s21] =	ssyncadd.s32 $0xFFFFC000  }
0x112: {  	_ =	swait.ge [sflag:s22], $0x4000  }
0x113: {  	[sflag:s22] =	ssyncset.done $0x0  }
0x114: {  	[sflag:s22] =	ssyncadd.s32 $0xFFFFC000  }
0x115: {  	_ =	sfence.sel $0x180000  }
0x116: {  	[bflag:$0x0] =	sbarrier.arrive $0xFFFF  }
0x117: {  	_ =	strace $0x9000004A  }
0x118: {  	s0 =	stileid.u32;
	[bflag:$0x2] =	sbarrier.arrive $0xFFFF  }
0x119: {  	p0 =	sne.s32 s0, $0x0;
	s0 =	rddreg [dreg:$0x2]  }
0x11a: {  	s0 =	sadd.s32 @!p0 $0x100000, s0  }
0x11b: {  	[sflag:s0] =	ssyncadd.tile.s32 @!p0 $0x1;
	_ =	shalt  }
.Lfunc_end2:
_tile_overlayer_lowered:
.L_overlay_start_2:
0x11c: {  	(tag) =	ssettag $0x2  }
0x11d: {  	s0 =	rddreg [dreg:$0x0];
	s2 =	stileid.u32  }
0x11e: {  	s1 =	rddreg [dreg:$0x1];
	p0 =	sne.s32 s2, $0x0  }
0x11f: {  	s3 =	rddreg [dreg:$0x2];
	[bflag:$0x3] =	sbarrier.arrive $0xFFFF;
	s2 =	simm.s32 @!p0 $0x1C05  }
0x120: {  	[timem:s3], [sflag:s2] =	dma.local @!p0 [hbm:s0], s1  }
0x121: {  	s0 =	simm.s32 @!p0 $0x5  }
0x122: {  	_ =	swait.ge @!p0 [sflag:s0], s1  }
0x123: {  	s1 =	ssub.s32 @!p0 $0x0, s1;
	[sflag:s0] =	ssyncset.done @!p0 $0x0  }
0x124: {  	[sflag:s0] =	ssyncadd.s32 @!p0 s1  }
0x125: {  	[bflag:$0x3] =	sbarrier.arrive $0xFFFF  }
0x126: {  	_ =	shalt  }

</sc_bundles>
